<compile_context>
chip_gen: v7x
topology: tpu7x:2x2x1
jax: 0.10.2.dev20260603
libtpu: 0.0.44.dev20260713+nightly
codegen_flags: <defaults>
</compile_context>

<pallas_src>
import functools

import numpy as np
import jax
import jax.numpy as jnp
from jax import lax
from jax.experimental import pallas as pl
from jax.experimental.pallas import tpu as pltpu
from jax.experimental.pallas import tpu_sc as plsc

N = 10000
E = 320000
D = 128
DH = D // 2

NC = 2
NS = 16
C = 128
CPT = 160
E_PAD = NS * CPT * C
N_PAD = 10112
STRIPE = N_PAD // NS
ROW_BLK = 1000

K = 5
G = CPT // K


def _mlp_in_body(x_ref, w0, b0, w1, b1, w2, b2, hid_ref, msg_ref):
    x = x_ref[...]
    h = jnp.maximum(jnp.dot(x, w0[...], preferred_element_type=jnp.float32) + b0[...], 0.0)
    hid_ref[...] = h
    m1 = jnp.maximum(jnp.dot(h, w1[...], preferred_element_type=jnp.float32) + b1[...], 0.0)
    msg = jnp.maximum(jnp.dot(m1, w2[...], preferred_element_type=jnp.float32) + b2[...], 0.0)
    msg_ref[0] = msg[:, :DH].astype(jnp.bfloat16)
    msg_ref[1] = msg[:, DH:].astype(jnp.bfloat16)


def _mlp_out_body(fl_ref, fr_ref, hid_ref, w3, b3, w4, b4, out_ref):
    f = jnp.concatenate([fl_ref[0], fr_ref[0]], axis=1).astype(jnp.float32)
    a1 = jnp.maximum(jnp.dot(f, w3[...], preferred_element_type=jnp.float32) + b3[...], 0.0)
    out_ref[...] = (
        jnp.maximum(jnp.dot(a1, w4[...], preferred_element_type=jnp.float32) + b4[...], 0.0)
        + hid_ref[...]
    )


_row_spec = pl.BlockSpec((ROW_BLK, D), lambda i: (i, 0))
_msg_spec = pl.BlockSpec((2, ROW_BLK, DH), lambda i: (0, i, 0))
_hl_spec = pl.BlockSpec((1, ROW_BLK, DH), lambda i: (0, i, 0))
_hr_spec = pl.BlockSpec((1, ROW_BLK, DH), lambda i: (1, i, 0))
_w_spec = pl.BlockSpec((D, D), lambda i: (0, 0))
_b_spec = pl.BlockSpec((1, D), lambda i: (0, 0))

_mlp_in_call = pl.pallas_call(
    _mlp_in_body,
    grid=(N // ROW_BLK,),
    in_specs=[_row_spec, _w_spec, _b_spec, _w_spec, _b_spec, _w_spec, _b_spec],
    out_specs=[_row_spec, _msg_spec],
    out_shape=[jax.ShapeDtypeStruct((N, D), jnp.float32),
               jax.ShapeDtypeStruct((2, N, DH), jnp.bfloat16)],
)

_mlp_out_call = pl.pallas_call(
    _mlp_out_body,
    grid=(N // ROW_BLK,),
    in_specs=[_hl_spec, _hr_spec, _row_spec, _w_spec, _b_spec, _w_spec, _b_spec],
    out_specs=_row_spec,
    out_shape=jax.ShapeDtypeStruct((N, D), jnp.float32),
)


def _sc_body(msg_hbm, src_hbm, dst_hbm, zeros_hbm, out_hbm,
             src_v, dst_v, rows_v, acc_sh, gsem, ssem):
    c = lax.axis_index("c")
    s = lax.axis_index("s")

    pltpu.sync_copy(zeros_hbm.at[pl.ds(s * STRIPE, STRIPE)],
                    acc_sh.at[pl.ds(s * STRIPE, STRIPE)])

    pltpu.sync_copy(src_hbm.at[pl.ds(s * CPT, CPT)], src_v)
    pltpu.sync_copy(dst_hbm.at[pl.ds(s * CPT, CPT)], dst_v)

    bias = c * N

    def _bias_row(i, carry):
        for j in range(C // 16):
            src_v[i, pl.ds(j * 16, 16)] = src_v[i, pl.ds(j * 16, 16)] + bias
        return carry

    lax.fori_loop(0, CPT, _bias_row, 0, unroll=4)

    plsc.subcore_barrier()

    for b in range(K):
        pltpu.async_copy(msg_hbm.at[src_v.at[b]], rows_v.at[0, b], gsem)

    def body(g, carry):
        cur = lax.rem(g, 2)
        nxt = 1 - cur
        base = g * K
        nbase = jnp.minimum(base + K, CPT - K)
        for b in range(K):
            pltpu.make_async_copy(msg_hbm.at[pl.ds(0, C)], rows_v.at[cur, b], gsem).wait()
        @pl.when(g > 0)
        def _():
            for b in range(K):
                pltpu.make_async_copy(msg_hbm.at[pl.ds(0, C)],
                                      acc_sh.at[pl.ds(0, C)], ssem).wait()
        for b in range(K):
            pltpu.async_copy(msg_hbm.at[src_v.at[nbase + b]], rows_v.at[nxt, b], gsem)
        for b in range(K):
            pltpu.async_copy(rows_v.at[cur, b], acc_sh.at[dst_v.at[base + b]],
                             ssem, add=True)
        return carry

    lax.fori_loop(0, G, body, 0)

    for b in range(K):
        pltpu.make_async_copy(msg_hbm.at[pl.ds(0, C)],
                              acc_sh.at[pl.ds(0, C)], ssem).wait()
        pltpu.make_async_copy(msg_hbm.at[pl.ds(0, C)], rows_v.at[0, b], gsem).wait()

    plsc.subcore_barrier()

    pltpu.sync_copy(acc_sh.at[pl.ds(s * STRIPE, STRIPE)],
                    out_hbm.at[c, pl.ds(s * STRIPE, STRIPE)])


_sc_call = pl.kernel(
    _sc_body,
    mesh=plsc.VectorSubcoreMesh(core_axis_name="c", subcore_axis_name="s"),
    out_type=jax.ShapeDtypeStruct((NC, N_PAD, DH), jnp.bfloat16),
    scratch_types=[
        pltpu.VMEM((CPT, C), jnp.int32),
        pltpu.VMEM((CPT, C), jnp.int32),
        pltpu.VMEM((2, K, C, DH), jnp.bfloat16),
        pltpu.VMEM_SHARED((N_PAD, DH), jnp.bfloat16),
        pltpu.SemaphoreType.DMA,
        pltpu.SemaphoreType.DMA,
    ],
    compiler_params=pltpu.CompilerParams(use_tc_tiling_on_sc=False),
)


def kernel(feature, edge_index, W0, b0, W1, b1, W2, b2, W3, b3, W4, b4):
    hid, msg = _mlp_in_call(feature, W0, b0.reshape(1, D), W1, b1.reshape(1, D),
                            W2, b2.reshape(1, D))

    msg2 = msg.reshape(2 * N, DH)

    pad = E_PAD - E
    src = jnp.concatenate([edge_index[0], jnp.zeros((pad,), jnp.int32)]).reshape(-1, C)
    dst = jnp.concatenate([edge_index[1], jnp.full((pad,), N_PAD - 1, jnp.int32)]).reshape(-1, C)
    zeros = jnp.zeros((N_PAD, DH), jnp.bfloat16)

    halves = _sc_call(msg2, src, dst, zeros)

    out = _mlp_out_call(halves, halves, hid,
                        W3, b3.reshape(1, D), W4, b4.reshape(1, D))
    return out

# --- scband reference (transcript-rebuilt; emitter-appended) ---
"""Pipeline reference for scband-gcnlayer-74148315398325 (READ-ONLY COPY).

The authoritative reference and input builder live on the scoring server;
editing this copy changes nothing except your own understanding.
"""

import jax, jax.numpy as jnp
import numpy as np

N = 10000
E = 320000
D_IN = 128
D_HID = 128
D_OUT = 128


def _init_linear(key, fan_in, fan_out):
    kw, kb = jax.random.split(key)
    bound = 1.0 / np.sqrt(fan_in)
    W = jax.random.uniform(kw, (fan_in, fan_out), minval=-bound, maxval=bound, dtype=jnp.float32)
    b = jax.random.uniform(kb, (fan_out,), minval=-bound, maxval=bound, dtype=jnp.float32)
    return W, b


def setup_inputs(seed: int = 0) -> dict:
    key = jax.random.key(seed)
    ks = jax.random.split(key, 7)
    feature = jax.random.normal(ks[0], (N, D_IN), dtype=jnp.float32)
    edge_index = jax.random.randint(ks[1], (2, E), 0, N, dtype=jnp.int32)
    W0, b0 = _init_linear(ks[2], D_IN, D_OUT)   # hid_linears
    W1, b1 = _init_linear(ks[3], D_OUT, D_HID)  # msg_linears[0]
    W2, b2 = _init_linear(ks[4], D_HID, D_OUT)  # msg_linears[2]
    W3, b3 = _init_linear(ks[5], D_OUT, D_HID)  # agg_linears[0]
    W4, b4 = _init_linear(ks[6], D_HID, D_OUT)  # agg_linears[2]
    return {"feature": feature, "edge_index": edge_index,
            "W0": W0, "b0": b0, "W1": W1, "b1": b1, "W2": W2, "b2": b2,
            "W3": W3, "b3": b3, "W4": W4, "b4": b4}


def reference(feature, edge_index, W0, b0, W1, b1, W2, b2, W3, b3, W4, b4):
    # hid = ReLU(Linear(feature))
    hid = jax.nn.relu(feature @ W0 + b0)
    # msg = ReLU(Linear(ReLU(Linear(hid))))
    m1 = jax.nn.relu(hid @ W1 + b1)
    msg = jax.nn.relu(m1 @ W2 + b2)
    # DGL update_all(copy_src('h','m'), sum('m','f')):
    # gather msg at src nodes, scatter-add into dst nodes
    src = edge_index[0]
    dst = edge_index[1]
    gathered = jnp.take(msg, src, axis=0)
    f = jax.ops.segment_sum(gathered, dst, num_segments=N)
    # out = ReLU(Linear(ReLU(Linear(f)))) + hid
    a1 = jax.nn.relu(f @ W3 + b3)
    out = jax.nn.relu(a1 @ W4 + b4) + hid
    return out

if __name__ == "__main__":
    import jax
    _d = setup_inputs()
    print(jax.jit(kernel)(*tuple(_d.values())))

</pallas_src>

<mosaic_0001>
#map = affine_map<(d0, d1) -> (0, 0)>
#map1 = affine_map<(d0, d1) -> (0, 0, 0)>
module attributes {stable_mosaic.version = 14 : i64} {
  func.func @_sc_body(%arg0: i32, %arg1: i32, %arg2: memref<20000x64xbf16, #tpu.memory_space<hbm>>, %arg3: memref<2560x128xi32, #tpu.memory_space<hbm>>, %arg4: memref<2560x128xi32, #tpu.memory_space<hbm>>, %arg5: memref<10112x64xbf16, #tpu.memory_space<hbm>>, %arg6: memref<2x10112x64xbf16, #tpu.memory_space<hbm>>, %arg7: memref<160x128xi32, #tpu.memory_space<vmem>>, %arg8: memref<160x128xi32, #tpu.memory_space<vmem>>, %arg9: memref<2x5x128x64xbf16, #tpu.memory_space<vmem>>, %arg10: memref<10112x64xbf16, #tpu.memory_space<vmem_shared>>, %arg11: memref<!tpu.dma_semaphore, #tpu.memory_space<semaphore_mem>>, %arg12: memref<!tpu.dma_semaphore, #tpu.memory_space<semaphore_mem>>) attributes {dimension_semantics = [#tpu.dimension_semantics<core_parallel>, #tpu.dimension_semantics<subcore_parallel>], iteration_bounds = array<i64: 2, 16>, scalar_prefetch = 0 : i64, scratch_operands = 6 : i64, tpu.core_type = #tpu.core_type<sc_vector_subcore>, window_params = [{transform_indices = #map}, {transform_indices = #map}, {transform_indices = #map}, {transform_indices = #map}, {transform_indices = #map1}]} {
    %mul3A = arith.constant 632 : i32
    %mul3A_0 = arith.muli %arg1, %mul3A : i32
    %mul3A_1 = arith.constant 632 : i32
    %mul3A_2 = arith.muli %arg1, %mul3A_1 : i32
    "tpu.region"() ({
      %run_scoped3A = tpu.sem_alloc : memref<!tpu.dma_semaphore, #tpu.memory_space<semaphore_mem>>
      %dma_start3A_198 = arith.constant 0 : i32
      %dma_start3A_199 = tpu.memref_slice %arg10[%mul3A_2, %dma_start3A_198] : memref<10112x64xbf16, #tpu.memory_space<vmem_shared>> -> memref<632x64xbf16, #tpu.memory_space<vmem_shared>>
      %dma_start3A_200 = arith.constant 0 : i32
      %dma_start3A_201 = tpu.memref_slice %arg5[%mul3A_0, %dma_start3A_200] : memref<10112x64xbf16, #tpu.memory_space<hbm>> -> memref<632x64xbf16, #tpu.memory_space<hbm>>
      tpu.enqueue_dma source(%dma_start3A_201 : memref<632x64xbf16, #tpu.memory_space<hbm>>) target(%dma_start3A_199 : memref<632x64xbf16, #tpu.memory_space<vmem_shared>>) target_semaphore(%run_scoped3A : memref<!tpu.dma_semaphore, #tpu.memory_space<semaphore_mem>>)
      %dma_wait3A_202 = arith.constant 0 : i32
      %dma_wait3A_203 = tpu.memref_slice %arg10[%mul3A_2, %dma_wait3A_202] : memref<10112x64xbf16, #tpu.memory_space<vmem_shared>> -> memref<632x64xbf16, #tpu.memory_space<vmem_shared>>
      %dma_wait3A_204 = arith.constant 0 : i32
      %dma_wait3A_205 = tpu.memref_slice %arg5[%mul3A_0, %dma_wait3A_204] : memref<10112x64xbf16, #tpu.memory_space<hbm>> -> memref<632x64xbf16, #tpu.memory_space<hbm>>
      tpu.wait_dma2 semaphore(%run_scoped3A : memref<!tpu.dma_semaphore, #tpu.memory_space<semaphore_mem>>) src(%dma_wait3A_205 : memref<632x64xbf16, #tpu.memory_space<hbm>>) dst(%dma_wait3A_203 : memref<632x64xbf16, #tpu.memory_space<vmem_shared>>)
      tpu.yield
    }) : () -> ()
    %mul3A_3 = arith.constant 160 : i32
    %mul3A_4 = arith.muli %arg1, %mul3A_3 : i32
    "tpu.region"() ({
      %run_scoped3A = tpu.sem_alloc : memref<!tpu.dma_semaphore, #tpu.memory_space<semaphore_mem>>
      %dma_start3A_198 = arith.constant 0 : i32
      %dma_start3A_199 = tpu.memref_slice %arg3[%mul3A_4, %dma_start3A_198] : memref<2560x128xi32, #tpu.memory_space<hbm>> -> memref<160x128xi32, #tpu.memory_space<hbm>>
      %dma_start3A_200 = arith.constant 0 : i32
      %dma_start3A_201 = tpu.memref_slice %arg3[%mul3A_4, %dma_start3A_200] : memref<2560x128xi32, #tpu.memory_space<hbm>> -> memref<160x128xi32, #tpu.memory_space<hbm>>
      tpu.enqueue_dma source(%dma_start3A_201 : memref<160x128xi32, #tpu.memory_space<hbm>>) target(%arg7 : memref<160x128xi32, #tpu.memory_space<vmem>>) target_semaphore(%run_scoped3A : memref<!tpu.dma_semaphore, #tpu.memory_space<semaphore_mem>>)
      %dma_wait3A_202 = arith.constant 0 : i32
      %dma_wait3A_203 = tpu.memref_slice %arg3[%mul3A_4, %dma_wait3A_202] : memref<2560x128xi32, #tpu.memory_space<hbm>> -> memref<160x128xi32, #tpu.memory_space<hbm>>
      %dma_wait3A_204 = arith.constant 0 : i32
      %dma_wait3A_205 = tpu.memref_slice %arg3[%mul3A_4, %dma_wait3A_204] : memref<2560x128xi32, #tpu.memory_space<hbm>> -> memref<160x128xi32, #tpu.memory_space<hbm>>
      tpu.wait_dma2 semaphore(%run_scoped3A : memref<!tpu.dma_semaphore, #tpu.memory_space<semaphore_mem>>) src(%dma_wait3A_205 : memref<160x128xi32, #tpu.memory_space<hbm>>) dst(%arg7 : memref<160x128xi32, #tpu.memory_space<vmem>>)
      tpu.yield
    }) : () -> ()
    %mul3A_5 = arith.constant 160 : i32
    %mul3A_6 = arith.muli %arg1, %mul3A_5 : i32
    "tpu.region"() ({
      %run_scoped3A = tpu.sem_alloc : memref<!tpu.dma_semaphore, #tpu.memory_space<semaphore_mem>>
      %dma_start3A_198 = arith.constant 0 : i32
      %dma_start3A_199 = tpu.memref_slice %arg4[%mul3A_6, %dma_start3A_198] : memref<2560x128xi32, #tpu.memory_space<hbm>> -> memref<160x128xi32, #tpu.memory_space<hbm>>
      %dma_start3A_200 = arith.constant 0 : i32
      %dma_start3A_201 = tpu.memref_slice %arg4[%mul3A_6, %dma_start3A_200] : memref<2560x128xi32, #tpu.memory_space<hbm>> -> memref<160x128xi32, #tpu.memory_space<hbm>>
      tpu.enqueue_dma source(%dma_start3A_201 : memref<160x128xi32, #tpu.memory_space<hbm>>) target(%arg8 : memref<160x128xi32, #tpu.memory_space<vmem>>) target_semaphore(%run_scoped3A : memref<!tpu.dma_semaphore, #tpu.memory_space<semaphore_mem>>)
      %dma_wait3A_202 = arith.constant 0 : i32
      %dma_wait3A_203 = tpu.memref_slice %arg4[%mul3A_6, %dma_wait3A_202] : memref<2560x128xi32, #tpu.memory_space<hbm>> -> memref<160x128xi32, #tpu.memory_space<hbm>>
      %dma_wait3A_204 = arith.constant 0 : i32
      %dma_wait3A_205 = tpu.memref_slice %arg4[%mul3A_6, %dma_wait3A_204] : memref<2560x128xi32, #tpu.memory_space<hbm>> -> memref<160x128xi32, #tpu.memory_space<hbm>>
      tpu.wait_dma2 semaphore(%run_scoped3A : memref<!tpu.dma_semaphore, #tpu.memory_space<semaphore_mem>>) src(%dma_wait3A_205 : memref<160x128xi32, #tpu.memory_space<hbm>>) dst(%arg8 : memref<160x128xi32, #tpu.memory_space<vmem>>)
      tpu.yield
    }) : () -> ()
    %mul3A_7 = arith.constant 10000 : i32
    %mul3A_8 = arith.muli %arg0, %mul3A_7 : i32
    %scan3A = arith.constant 0 : i32
    %scan3A_9 = arith.constant 0 : i32
    %scan3A_10 = arith.constant 160 : i32
    %scan3A_11 = arith.addi %scan3A_9, %scan3A_10 : i32
    %scan3A_12 = arith.constant 4 : i32
    scf.for %scan3A_198 = %scan3A_9 to %scan3A_11 step %scan3A_12  : i32 {
      %get3A = arith.index_cast %scan3A_198 : i32 to index
      %get3A_199 = arith.constant 0 : index
      %get3A_200 = tpu.vector_load %arg7[%get3A, %get3A_199] {strides = array<i32>} : memref<160x128xi32, #tpu.memory_space<vmem>>, vector<1x16xi32>,
      %get3A_201 = vector.shape_cast %get3A_200 : vector<1x16xi32> to vector<16xi32>
      %add3A = vector.broadcast %mul3A_8 : i32 to vector<16xi32>
      %add3A_202 = arith.addi %get3A_201, %add3A : vector<16xi32>
      %swap3A = arith.index_cast %scan3A_198 : i32 to index
      %swap3A_203 = arith.constant 0 : index
      %swap3A_204 = tpu.vector_load %arg7[%swap3A, %swap3A_203] {strides = array<i32>} : memref<160x128xi32, #tpu.memory_space<vmem>>, vector<1x16xi32>,
      %swap3A_205 = vector.shape_cast %swap3A_204 : vector<1x16xi32> to vector<16xi32>
      %swap3A_206 = vector.shape_cast %add3A_202 : vector<16xi32> to vector<1x16xi32>
      tpu.vector_store %arg7[%swap3A, %swap3A_203], %swap3A_206 {strides = array<i32>} : memref<160x128xi32, #tpu.memory_space<vmem>>, vector<1x16xi32>,
      %get3A_207 = arith.index_cast %scan3A_198 : i32 to index
      %get3A_208 = arith.constant 16 : index
      %get3A_209 = tpu.vector_load %arg7[%get3A_207, %get3A_208] {strides = array<i32>} : memref<160x128xi32, #tpu.memory_space<vmem>>, vector<1x16xi32>,
      %get3A_210 = vector.shape_cast %get3A_209 : vector<1x16xi32> to vector<16xi32>
      %add3A_211 = vector.broadcast %mul3A_8 : i32 to vector<16xi32>
      %add3A_212 = arith.addi %get3A_210, %add3A_211 : vector<16xi32>
      %swap3A_213 = arith.index_cast %scan3A_198 : i32 to index
      %swap3A_214 = arith.constant 16 : index
      %swap3A_215 = tpu.vector_load %arg7[%swap3A_213, %swap3A_214] {strides = array<i32>} : memref<160x128xi32, #tpu.memory_space<vmem>>, vector<1x16xi32>,
      %swap3A_216 = vector.shape_cast %swap3A_215 : vector<1x16xi32> to vector<16xi32>
      %swap3A_217 = vector.shape_cast %add3A_212 : vector<16xi32> to vector<1x16xi32>
      tpu.vector_store %arg7[%swap3A_213, %swap3A_214], %swap3A_217 {strides = array<i32>} : memref<160x128xi32, #tpu.memory_space<vmem>>, vector<1x16xi32>,
      %get3A_218 = arith.index_cast %scan3A_198 : i32 to index
      %get3A_219 = arith.constant 32 : index
      %get3A_220 = tpu.vector_load %arg7[%get3A_218, %get3A_219] {strides = array<i32>} : memref<160x128xi32, #tpu.memory_space<vmem>>, vector<1x16xi32>,
      %get3A_221 = vector.shape_cast %get3A_220 : vector<1x16xi32> to vector<16xi32>
      %add3A_222 = vector.broadcast %mul3A_8 : i32 to vector<16xi32>
      %add3A_223 = arith.addi %get3A_221, %add3A_222 : vector<16xi32>
      %swap3A_224 = arith.index_cast %scan3A_198 : i32 to index
      %swap3A_225 = arith.constant 32 : index
      %swap3A_226 = tpu.vector_load %arg7[%swap3A_224, %swap3A_225] {strides = array<i32>} : memref<160x128xi32, #tpu.memory_space<vmem>>, vector<1x16xi32>,
      %swap3A_227 = vector.shape_cast %swap3A_226 : vector<1x16xi32> to vector<16xi32>
      %swap3A_228 = vector.shape_cast %add3A_223 : vector<16xi32> to vector<1x16xi32>
      tpu.vector_store %arg7[%swap3A_224, %swap3A_225], %swap3A_228 {strides = array<i32>} : memref<160x128xi32, #tpu.memory_space<vmem>>, vector<1x16xi32>,
      %get3A_229 = arith.index_cast %scan3A_198 : i32 to index
      %get3A_230 = arith.constant 48 : index
      %get3A_231 = tpu.vector_load %arg7[%get3A_229, %get3A_230] {strides = array<i32>} : memref<160x128xi32, #tpu.memory_space<vmem>>, vector<1x16xi32>,
      %get3A_232 = vector.shape_cast %get3A_231 : vector<1x16xi32> to vector<16xi32>
      %add3A_233 = vector.broadcast %mul3A_8 : i32 to vector<16xi32>
      %add3A_234 = arith.addi %get3A_232, %add3A_233 : vector<16xi32>
      %swap3A_235 = arith.index_cast %scan3A_198 : i32 to index
      %swap3A_236 = arith.constant 48 : index
      %swap3A_237 = tpu.vector_load %arg7[%swap3A_235, %swap3A_236] {strides = array<i32>} : memref<160x128xi32, #tpu.memory_space<vmem>>, vector<1x16xi32>,
      %swap3A_238 = vector.shape_cast %swap3A_237 : vector<1x16xi32> to vector<16xi32>
      %swap3A_239 = vector.shape_cast %add3A_234 : vector<16xi32> to vector<1x16xi32>
      tpu.vector_store %arg7[%swap3A_235, %swap3A_236], %swap3A_239 {strides = array<i32>} : memref<160x128xi32, #tpu.memory_space<vmem>>, vector<1x16xi32>,
      %get3A_240 = arith.index_cast %scan3A_198 : i32 to index
      %get3A_241 = arith.constant 64 : index
      %get3A_242 = tpu.vector_load %arg7[%get3A_240, %get3A_241] {strides = array<i32>} : memref<160x128xi32, #tpu.memory_space<vmem>>, vector<1x16xi32>,
      %get3A_243 = vector.shape_cast %get3A_242 : vector<1x16xi32> to vector<16xi32>
      %add3A_244 = vector.broadcast %mul3A_8 : i32 to vector<16xi32>
      %add3A_245 = arith.addi %get3A_243, %add3A_244 : vector<16xi32>
      %swap3A_246 = arith.index_cast %scan3A_198 : i32 to index
      %swap3A_247 = arith.constant 64 : index
      %swap3A_248 = tpu.vector_load %arg7[%swap3A_246, %swap3A_247] {strides = array<i32>} : memref<160x128xi32, #tpu.memory_space<vmem>>, vector<1x16xi32>,
      %swap3A_249 = vector.shape_cast %swap3A_248 : vector<1x16xi32> to vector<16xi32>
      %swap3A_250 = vector.shape_cast %add3A_245 : vector<16xi32> to vector<1x16xi32>
      tpu.vector_store %arg7[%swap3A_246, %swap3A_247], %swap3A_250 {strides = array<i32>} : memref<160x128xi32, #tpu.memory_space<vmem>>, vector<1x16xi32>,
      %get3A_251 = arith.index_cast %scan3A_198 : i32 to index
      %get3A_252 = arith.constant 80 : index
      %get3A_253 = tpu.vector_load %arg7[%get3A_251, %get3A_252] {strides = array<i32>} : memref<160x128xi32, #tpu.memory_space<vmem>>, vector<1x16xi32>,
      %get3A_254 = vector.shape_cast %get3A_253 : vector<1x16xi32> to vector<16xi32>
      %add3A_255 = vector.broadcast %mul3A_8 : i32 to vector<16xi32>
      %add3A_256 = arith.addi %get3A_254, %add3A_255 : vector<16xi32>
      %swap3A_257 = arith.index_cast %scan3A_198 : i32 to index
      %swap3A_258 = arith.constant 80 : index
      %swap3A_259 = tpu.vector_load %arg7[%swap3A_257, %swap3A_258] {strides = array<i32>} : memref<160x128xi32, #tpu.memory_space<vmem>>, vector<1x16xi32>,
      %swap3A_260 = vector.shape_cast %swap3A_259 : vector<1x16xi32> to vector<16xi32>
      %swap3A_261 = vector.shape_cast %add3A_256 : vector<16xi32> to vector<1x16xi32>
      tpu.vector_store %arg7[%swap3A_257, %swap3A_258], %swap3A_261 {strides = array<i32>} : memref<160x128xi32, #tpu.memory_space<vmem>>, vector<1x16xi32>,
      %get3A_262 = arith.index_cast %scan3A_198 : i32 to index
      %get3A_263 = arith.constant 96 : index
      %get3A_264 = tpu.vector_load %arg7[%get3A_262, %get3A_263] {strides = array<i32>} : memref<160x128xi32, #tpu.memory_space<vmem>>, vector<1x16xi32>,
      %get3A_265 = vector.shape_cast %get3A_264 : vector<1x16xi32> to vector<16xi32>
      %add3A_266 = vector.broadcast %mul3A_8 : i32 to vector<16xi32>
      %add3A_267 = arith.addi %get3A_265, %add3A_266 : vector<16xi32>
      %swap3A_268 = arith.index_cast %scan3A_198 : i32 to index
      %swap3A_269 = arith.constant 96 : index
      %swap3A_270 = tpu.vector_load %arg7[%swap3A_268, %swap3A_269] {strides = array<i32>} : memref<160x128xi32, #tpu.memory_space<vmem>>, vector<1x16xi32>,
      %swap3A_271 = vector.shape_cast %swap3A_270 : vector<1x16xi32> to vector<16xi32>
      %swap3A_272 = vector.shape_cast %add3A_267 : vector<16xi32> to vector<1x16xi32>
      tpu.vector_store %arg7[%swap3A_268, %swap3A_269], %swap3A_272 {strides = array<i32>} : memref<160x128xi32, #tpu.memory_space<vmem>>, vector<1x16xi32>,
      %get3A_273 = arith.index_cast %scan3A_198 : i32 to index
      %get3A_274 = arith.constant 112 : index
      %get3A_275 = tpu.vector_load %arg7[%get3A_273, %get3A_274] {strides = array<i32>} : memref<160x128xi32, #tpu.memory_space<vmem>>, vector<1x16xi32>,
      %get3A_276 = vector.shape_cast %get3A_275 : vector<1x16xi32> to vector<16xi32>
      %add3A_277 = vector.broadcast %mul3A_8 : i32 to vector<16xi32>
      %add3A_278 = arith.addi %get3A_276, %add3A_277 : vector<16xi32>
      %swap3A_279 = arith.index_cast %scan3A_198 : i32 to index
      %swap3A_280 = arith.constant 112 : index
      %swap3A_281 = tpu.vector_load %arg7[%swap3A_279, %swap3A_280] {strides = array<i32>} : memref<160x128xi32, #tpu.memory_space<vmem>>, vector<1x16xi32>,
      %swap3A_282 = vector.shape_cast %swap3A_281 : vector<1x16xi32> to vector<16xi32>
      %swap3A_283 = vector.shape_cast %add3A_278 : vector<16xi32> to vector<1x16xi32>
      tpu.vector_store %arg7[%swap3A_279, %swap3A_280], %swap3A_283 {strides = array<i32>} : memref<160x128xi32, #tpu.memory_space<vmem>>, vector<1x16xi32>,
      %scan3A_284 = arith.constant 1 : i32
      %scan3A_285 = arith.addi %scan3A_198, %scan3A_284 : i32
      %get3A_286 = arith.index_cast %scan3A_285 : i32 to index
      %get3A_287 = arith.constant 0 : index
      %get3A_288 = tpu.vector_load %arg7[%get3A_286, %get3A_287] {strides = array<i32>} : memref<160x128xi32, #tpu.memory_space<vmem>>, vector<1x16xi32>,
      %get3A_289 = vector.shape_cast %get3A_288 : vector<1x16xi32> to vector<16xi32>
      %add3A_290 = vector.broadcast %mul3A_8 : i32 to vector<16xi32>
      %add3A_291 = arith.addi %get3A_289, %add3A_290 : vector<16xi32>
      %swap3A_292 = arith.index_cast %scan3A_285 : i32 to index
      %swap3A_293 = arith.constant 0 : index
      %swap3A_294 = tpu.vector_load %arg7[%swap3A_292, %swap3A_293] {strides = array<i32>} : memref<160x128xi32, #tpu.memory_space<vmem>>, vector<1x16xi32>,
      %swap3A_295 = vector.shape_cast %swap3A_294 : vector<1x16xi32> to vector<16xi32>
      %swap3A_296 = vector.shape_cast %add3A_291 : vector<16xi32> to vector<1x16xi32>
      tpu.vector_store %arg7[%swap3A_292, %swap3A_293], %swap3A_296 {strides = array<i32>} : memref<160x128xi32, #tpu.memory_space<vmem>>, vector<1x16xi32>,
      %get3A_297 = arith.index_cast %scan3A_285 : i32 to index
      %get3A_298 = arith.constant 16 : index
      %get3A_299 = tpu.vector_load %arg7[%get3A_297, %get3A_298] {strides = array<i32>} : memref<160x128xi32, #tpu.memory_space<vmem>>, vector<1x16xi32>,
      %get3A_300 = vector.shape_cast %get3A_299 : vector<1x16xi32> to vector<16xi32>
      %add3A_301 = vector.broadcast %mul3A_8 : i32 to vector<16xi32>
      %add3A_302 = arith.addi %get3A_300, %add3A_301 : vector<16xi32>
      %swap3A_303 = arith.index_cast %scan3A_285 : i32 to index
      %swap3A_304 = arith.constant 16 : index
      %swap3A_305 = tpu.vector_load %arg7[%swap3A_303, %swap3A_304] {strides = array<i32>} : memref<160x128xi32, #tpu.memory_space<vmem>>, vector<1x16xi32>,
      %swap3A_306 = vector.shape_cast %swap3A_305 : vector<1x16xi32> to vector<16xi32>
      %swap3A_307 = vector.shape_cast %add3A_302 : vector<16xi32> to vector<1x16xi32>
      tpu.vector_store %arg7[%swap3A_303, %swap3A_304], %swap3A_307 {strides = array<i32>} : memref<160x128xi32, #tpu.memory_space<vmem>>, vector<1x16xi32>,
      %get3A_308 = arith.index_cast %scan3A_285 : i32 to index
      %get3A_309 = arith.constant 32 : index
      %get3A_310 = tpu.vector_load %arg7[%get3A_308, %get3A_309] {strides = array<i32>} : memref<160x128xi32, #tpu.memory_space<vmem>>, vector<1x16xi32>,
      %get3A_311 = vector.shape_cast %get3A_310 : vector<1x16xi32> to vector<16xi32>
      %add3A_312 = vector.broadcast %mul3A_8 : i32 to vector<16xi32>
      %add3A_313 = arith.addi %get3A_311, %add3A_312 : vector<16xi32>
      %swap3A_314 = arith.index_cast %scan3A_285 : i32 to index
      %swap3A_315 = arith.constant 32 : index
      %swap3A_316 = tpu.vector_load %arg7[%swap3A_314, %swap3A_315] {strides = array<i32>} : memref<160x128xi32, #tpu.memory_space<vmem>>, vector<1x16xi32>,
      %swap3A_317 = vector.shape_cast %swap3A_316 : vector<1x16xi32> to vector<16xi32>
      %swap3A_318 = vector.shape_cast %add3A_313 : vector<16xi32> to vector<1x16xi32>
      tpu.vector_store %arg7[%swap3A_314, %swap3A_315], %swap3A_318 {strides = array<i32>} : memref<160x128xi32, #tpu.memory_space<vmem>>, vector<1x16xi32>,
      %get3A_319 = arith.index_cast %scan3A_285 : i32 to index
      %get3A_320 = arith.constant 48 : index
      %get3A_321 = tpu.vector_load %arg7[%get3A_319, %get3A_320] {strides = array<i32>} : memref<160x128xi32, #tpu.memory_space<vmem>>, vector<1x16xi32>,
      %get3A_322 = vector.shape_cast %get3A_321 : vector<1x16xi32> to vector<16xi32>
      %add3A_323 = vector.broadcast %mul3A_8 : i32 to vector<16xi32>
      %add3A_324 = arith.addi %get3A_322, %add3A_323 : vector<16xi32>
      %swap3A_325 = arith.index_cast %scan3A_285 : i32 to index
      %swap3A_326 = arith.constant 48 : index
      %swap3A_327 = tpu.vector_load %arg7[%swap3A_325, %swap3A_326] {strides = array<i32>} : memref<160x128xi32, #tpu.memory_space<vmem>>, vector<1x16xi32>,
      %swap3A_328 = vector.shape_cast %swap3A_327 : vector<1x16xi32> to vector<16xi32>
      %swap3A_329 = vector.shape_cast %add3A_324 : vector<16xi32> to vector<1x16xi32>
      tpu.vector_store %arg7[%swap3A_325, %swap3A_326], %swap3A_329 {strides = array<i32>} : memref<160x128xi32, #tpu.memory_space<vmem>>, vector<1x16xi32>,
      %get3A_330 = arith.index_cast %scan3A_285 : i32 to index
      %get3A_331 = arith.constant 64 : index
      %get3A_332 = tpu.vector_load %arg7[%get3A_330, %get3A_331] {strides = array<i32>} : memref<160x128xi32, #tpu.memory_space<vmem>>, vector<1x16xi32>,
      %get3A_333 = vector.shape_cast %get3A_332 : vector<1x16xi32> to vector<16xi32>
      %add3A_334 = vector.broadcast %mul3A_8 : i32 to vector<16xi32>
      %add3A_335 = arith.addi %get3A_333, %add3A_334 : vector<16xi32>
      %swap3A_336 = arith.index_cast %scan3A_285 : i32 to index
      %swap3A_337 = arith.constant 64 : index
      %swap3A_338 = tpu.vector_load %arg7[%swap3A_336, %swap3A_337] {strides = array<i32>} : memref<160x128xi32, #tpu.memory_space<vmem>>, vector<1x16xi32>,
      %swap3A_339 = vector.shape_cast %swap3A_338 : vector<1x16xi32> to vector<16xi32>
      %swap3A_340 = vector.shape_cast %add3A_335 : vector<16xi32> to vector<1x16xi32>
      tpu.vector_store %arg7[%swap3A_336, %swap3A_337], %swap3A_340 {strides = array<i32>} : memref<160x128xi32, #tpu.memory_space<vmem>>, vector<1x16xi32>,
      %get3A_341 = arith.index_cast %scan3A_285 : i32 to index
      %get3A_342 = arith.constant 80 : index
      %get3A_343 = tpu.vector_load %arg7[%get3A_341, %get3A_342] {strides = array<i32>} : memref<160x128xi32, #tpu.memory_space<vmem>>, vector<1x16xi32>,
      %get3A_344 = vector.shape_cast %get3A_343 : vector<1x16xi32> to vector<16xi32>
      %add3A_345 = vector.broadcast %mul3A_8 : i32 to vector<16xi32>
      %add3A_346 = arith.addi %get3A_344, %add3A_345 : vector<16xi32>
      %swap3A_347 = arith.index_cast %scan3A_285 : i32 to index
      %swap3A_348 = arith.constant 80 : index
      %swap3A_349 = tpu.vector_load %arg7[%swap3A_347, %swap3A_348] {strides = array<i32>} : memref<160x128xi32, #tpu.memory_space<vmem>>, vector<1x16xi32>,
      %swap3A_350 = vector.shape_cast %swap3A_349 : vector<1x16xi32> to vector<16xi32>
      %swap3A_351 = vector.shape_cast %add3A_346 : vector<16xi32> to vector<1x16xi32>
      tpu.vector_store %arg7[%swap3A_347, %swap3A_348], %swap3A_351 {strides = array<i32>} : memref<160x128xi32, #tpu.memory_space<vmem>>, vector<1x16xi32>,
      %get3A_352 = arith.index_cast %scan3A_285 : i32 to index
      %get3A_353 = arith.constant 96 : index
      %get3A_354 = tpu.vector_load %arg7[%get3A_352, %get3A_353] {strides = array<i32>} : memref<160x128xi32, #tpu.memory_space<vmem>>, vector<1x16xi32>,
      %get3A_355 = vector.shape_cast %get3A_354 : vector<1x16xi32> to vector<16xi32>
      %add3A_356 = vector.broadcast %mul3A_8 : i32 to vector<16xi32>
      %add3A_357 = arith.addi %get3A_355, %add3A_356 : vector<16xi32>
      %swap3A_358 = arith.index_cast %scan3A_285 : i32 to index
      %swap3A_359 = arith.constant 96 : index
      %swap3A_360 = tpu.vector_load %arg7[%swap3A_358, %swap3A_359] {strides = array<i32>} : memref<160x128xi32, #tpu.memory_space<vmem>>, vector<1x16xi32>,
      %swap3A_361 = vector.shape_cast %swap3A_360 : vector<1x16xi32> to vector<16xi32>
      %swap3A_362 = vector.shape_cast %add3A_357 : vector<16xi32> to vector<1x16xi32>
      tpu.vector_store %arg7[%swap3A_358, %swap3A_359], %swap3A_362 {strides = array<i32>} : memref<160x128xi32, #tpu.memory_space<vmem>>, vector<1x16xi32>,
      %get3A_363 = arith.index_cast %scan3A_285 : i32 to index
      %get3A_364 = arith.constant 112 : index
      %get3A_365 = tpu.vector_load %arg7[%get3A_363, %get3A_364] {strides = array<i32>} : memref<160x128xi32, #tpu.memory_space<vmem>>, vector<1x16xi32>,
      %get3A_366 = vector.shape_cast %get3A_365 : vector<1x16xi32> to vector<16xi32>
      %add3A_367 = vector.broadcast %mul3A_8 : i32 to vector<16xi32>
      %add3A_368 = arith.addi %get3A_366, %add3A_367 : vector<16xi32>
      %swap3A_369 = arith.index_cast %scan3A_285 : i32 to index
      %swap3A_370 = arith.constant 112 : index
      %swap3A_371 = tpu.vector_load %arg7[%swap3A_369, %swap3A_370] {strides = array<i32>} : memref<160x128xi32, #tpu.memory_space<vmem>>, vector<1x16xi32>,
      %swap3A_372 = vector.shape_cast %swap3A_371 : vector<1x16xi32> to vector<16xi32>
      %swap3A_373 = vector.shape_cast %add3A_368 : vector<16xi32> to vector<1x16xi32>
      tpu.vector_store %arg7[%swap3A_369, %swap3A_370], %swap3A_373 {strides = array<i32>} : memref<160x128xi32, #tpu.memory_space<vmem>>, vector<1x16xi32>,
      %scan3A_374 = arith.constant 2 : i32
      %scan3A_375 = arith.addi %scan3A_198, %scan3A_374 : i32
      %get3A_376 = arith.index_cast %scan3A_375 : i32 to index
      %get3A_377 = arith.constant 0 : index
      %get3A_378 = tpu.vector_load %arg7[%get3A_376, %get3A_377] {strides = array<i32>} : memref<160x128xi32, #tpu.memory_space<vmem>>, vector<1x16xi32>,
      %get3A_379 = vector.shape_cast %get3A_378 : vector<1x16xi32> to vector<16xi32>
      %add3A_380 = vector.broadcast %mul3A_8 : i32 to vector<16xi32>
      %add3A_381 = arith.addi %get3A_379, %add3A_380 : vector<16xi32>
      %swap3A_382 = arith.index_cast %scan3A_375 : i32 to index
      %swap3A_383 = arith.constant 0 : index
      %swap3A_384 = tpu.vector_load %arg7[%swap3A_382, %swap3A_383] {strides = array<i32>} : memref<160x128xi32, #tpu.memory_space<vmem>>, vector<1x16xi32>,
      %swap3A_385 = vector.shape_cast %swap3A_384 : vector<1x16xi32> to vector<16xi32>
      %swap3A_386 = vector.shape_cast %add3A_381 : vector<16xi32> to vector<1x16xi32>
      tpu.vector_store %arg7[%swap3A_382, %swap3A_383], %swap3A_386 {strides = array<i32>} : memref<160x128xi32, #tpu.memory_space<vmem>>, vector<1x16xi32>,
      %get3A_387 = arith.index_cast %scan3A_375 : i32 to index
      %get3A_388 = arith.constant 16 : index
      %get3A_389 = tpu.vector_load %arg7[%get3A_387, %get3A_388] {strides = array<i32>} : memref<160x128xi32, #tpu.memory_space<vmem>>, vector<1x16xi32>,
      %get3A_390 = vector.shape_cast %get3A_389 : vector<1x16xi32> to vector<16xi32>
      %add3A_391 = vector.broadcast %mul3A_8 : i32 to vector<16xi32>
      %add3A_392 = arith.addi %get3A_390, %add3A_391 : vector<16xi32>
      %swap3A_393 = arith.index_cast %scan3A_375 : i32 to index
      %swap3A_394 = arith.constant 16 : index
      %swap3A_395 = tpu.vector_load %arg7[%swap3A_393, %swap3A_394] {strides = array<i32>} : memref<160x128xi32, #tpu.memory_space<vmem>>, vector<1x16xi32>,
      %swap3A_396 = vector.shape_cast %swap3A_395 : vector<1x16xi32> to vector<16xi32>
      %swap3A_397 = vector.shape_cast %add3A_392 : vector<16xi32> to vector<1x16xi32>
      tpu.vector_store %arg7[%swap3A_393, %swap3A_394], %swap3A_397 {strides = array<i32>} : memref<160x128xi32, #tpu.memory_space<vmem>>, vector<1x16xi32>,
      %get3A_398 = arith.index_cast %scan3A_375 : i32 to index
      %get3A_399 = arith.constant 32 : index
      %get3A_400 = tpu.vector_load %arg7[%get3A_398, %get3A_399] {strides = array<i32>} : memref<160x128xi32, #tpu.memory_space<vmem>>, vector<1x16xi32>,
      %get3A_401 = vector.shape_cast %get3A_400 : vector<1x16xi32> to vector<16xi32>
      %add3A_402 = vector.broadcast %mul3A_8 : i32 to vector<16xi32>
      %add3A_403 = arith.addi %get3A_401, %add3A_402 : vector<16xi32>
      %swap3A_404 = arith.index_cast %scan3A_375 : i32 to index
      %swap3A_405 = arith.constant 32 : index
      %swap3A_406 = tpu.vector_load %arg7[%swap3A_404, %swap3A_405] {strides = array<i32>} : memref<160x128xi32, #tpu.memory_space<vmem>>, vector<1x16xi32>,
      %swap3A_407 = vector.shape_cast %swap3A_406 : vector<1x16xi32> to vector<16xi32>
      %swap3A_408 = vector.shape_cast %add3A_403 : vector<16xi32> to vector<1x16xi32>
      tpu.vector_store %arg7[%swap3A_404, %swap3A_405], %swap3A_408 {strides = array<i32>} : memref<160x128xi32, #tpu.memory_space<vmem>>, vector<1x16xi32>,
      %get3A_409 = arith.index_cast %scan3A_375 : i32 to index
      %get3A_410 = arith.constant 48 : index
      %get3A_411 = tpu.vector_load %arg7[%get3A_409, %get3A_410] {strides = array<i32>} : memref<160x128xi32, #tpu.memory_space<vmem>>, vector<1x16xi32>,
      %get3A_412 = vector.shape_cast %get3A_411 : vector<1x16xi32> to vector<16xi32>
      %add3A_413 = vector.broadcast %mul3A_8 : i32 to vector<16xi32>
      %add3A_414 = arith.addi %get3A_412, %add3A_413 : vector<16xi32>
      %swap3A_415 = arith.index_cast %scan3A_375 : i32 to index
      %swap3A_416 = arith.constant 48 : index
      %swap3A_417 = tpu.vector_load %arg7[%swap3A_415, %swap3A_416] {strides = array<i32>} : memref<160x128xi32, #tpu.memory_space<vmem>>, vector<1x16xi32>,
      %swap3A_418 = vector.shape_cast %swap3A_417 : vector<1x16xi32> to vector<16xi32>
      %swap3A_419 = vector.shape_cast %add3A_414 : vector<16xi32> to vector<1x16xi32>
      tpu.vector_store %arg7[%swap3A_415, %swap3A_416], %swap3A_419 {strides = array<i32>} : memref<160x128xi32, #tpu.memory_space<vmem>>, vector<1x16xi32>,
      %get3A_420 = arith.index_cast %scan3A_375 : i32 to index
      %get3A_421 = arith.constant 64 : index
      %get3A_422 = tpu.vector_load %arg7[%get3A_420, %get3A_421] {strides = array<i32>} : memref<160x128xi32, #tpu.memory_space<vmem>>, vector<1x16xi32>,
      %get3A_423 = vector.shape_cast %get3A_422 : vector<1x16xi32> to vector<16xi32>
      %add3A_424 = vector.broadcast %mul3A_8 : i32 to vector<16xi32>
      %add3A_425 = arith.addi %get3A_423, %add3A_424 : vector<16xi32>
      %swap3A_426 = arith.index_cast %scan3A_375 : i32 to index
      %swap3A_427 = arith.constant 64 : index
      %swap3A_428 = tpu.vector_load %arg7[%swap3A_426, %swap3A_427] {strides = array<i32>} : memref<160x128xi32, #tpu.memory_space<vmem>>, vector<1x16xi32>,
      %swap3A_429 = vector.shape_cast %swap3A_428 : vector<1x16xi32> to vector<16xi32>
      %swap3A_430 = vector.shape_cast %add3A_425 : vector<16xi32> to vector<1x16xi32>
      tpu.vector_store %arg7[%swap3A_426, %swap3A_427], %swap3A_430 {strides = array<i32>} : memref<160x128xi32, #tpu.memory_space<vmem>>, vector<1x16xi32>,
      %get3A_431 = arith.index_cast %scan3A_375 : i32 to index
      %get3A_432 = arith.constant 80 : index
      %get3A_433 = tpu.vector_load %arg7[%get3A_431, %get3A_432] {strides = array<i32>} : memref<160x128xi32, #tpu.memory_space<vmem>>, vector<1x16xi32>,
      %get3A_434 = vector.shape_cast %get3A_433 : vector<1x16xi32> to vector<16xi32>
      %add3A_435 = vector.broadcast %mul3A_8 : i32 to vector<16xi32>
      %add3A_436 = arith.addi %get3A_434, %add3A_435 : vector<16xi32>
      %swap3A_437 = arith.index_cast %scan3A_375 : i32 to index
      %swap3A_438 = arith.constant 80 : index
      %swap3A_439 = tpu.vector_load %arg7[%swap3A_437, %swap3A_438] {strides = array<i32>} : memref<160x128xi32, #tpu.memory_space<vmem>>, vector<1x16xi32>,
      %swap3A_440 = vector.shape_cast %swap3A_439 : vector<1x16xi32> to vector<16xi32>
      %swap3A_441 = vector.shape_cast %add3A_436 : vector<16xi32> to vector<1x16xi32>
      tpu.vector_store %arg7[%swap3A_437, %swap3A_438], %swap3A_441 {strides = array<i32>} : memref<160x128xi32, #tpu.memory_space<vmem>>, vector<1x16xi32>,
      %get3A_442 = arith.index_cast %scan3A_375 : i32 to index
      %get3A_443 = arith.constant 96 : index
      %get3A_444 = tpu.vector_load %arg7[%get3A_442, %get3A_443] {strides = array<i32>} : memref<160x128xi32, #tpu.memory_space<vmem>>, vector<1x16xi32>,
      %get3A_445 = vector.shape_cast %get3A_444 : vector<1x16xi32> to vector<16xi32>
      %add3A_446 = vector.broadcast %mul3A_8 : i32 to vector<16xi32>
      %add3A_447 = arith.addi %get3A_445, %add3A_446 : vector<16xi32>
      %swap3A_448 = arith.index_cast %scan3A_375 : i32 to index
      %swap3A_449 = arith.constant 96 : index
      %swap3A_450 = tpu.vector_load %arg7[%swap3A_448, %swap3A_449] {strides = array<i32>} : memref<160x128xi32, #tpu.memory_space<vmem>>, vector<1x16xi32>,
      %swap3A_451 = vector.shape_cast %swap3A_450 : vector<1x16xi32> to vector<16xi32>
      %swap3A_452 = vector.shape_cast %add3A_447 : vector<16xi32> to vector<1x16xi32>
      tpu.vector_store %arg7[%swap3A_448, %swap3A_449], %swap3A_452 {strides = array<i32>} : memref<160x128xi32, #tpu.memory_space<vmem>>, vector<1x16xi32>,
      %get3A_453 = arith.index_cast %scan3A_375 : i32 to index
      %get3A_454 = arith.constant 112 : index
      %get3A_455 = tpu.vector_load %arg7[%get3A_453, %get3A_454] {strides = array<i32>} : memref<160x128xi32, #tpu.memory_space<vmem>>, vector<1x16xi32>,
      %get3A_456 = vector.shape_cast %get3A_455 : vector<1x16xi32> to vector<16xi32>
      %add3A_457 = vector.broadcast %mul3A_8 : i32 to vector<16xi32>
      %add3A_458 = arith.addi %get3A_456, %add3A_457 : vector<16xi32>
      %swap3A_459 = arith.index_cast %scan3A_375 : i32 to index
      %swap3A_460 = arith.constant 112 : index
      %swap3A_461 = tpu.vector_load %arg7[%swap3A_459, %swap3A_460] {strides = array<i32>} : memref<160x128xi32, #tpu.memory_space<vmem>>, vector<1x16xi32>,
      %swap3A_462 = vector.shape_cast %swap3A_461 : vector<1x16xi32> to vector<16xi32>
      %swap3A_463 = vector.shape_cast %add3A_458 : vector<16xi32> to vector<1x16xi32>
      tpu.vector_store %arg7[%swap3A_459, %swap3A_460], %swap3A_463 {strides = array<i32>} : memref<160x128xi32, #tpu.memory_space<vmem>>, vector<1x16xi32>,
      %scan3A_464 = arith.constant 3 : i32
      %scan3A_465 = arith.addi %scan3A_198, %scan3A_464 : i32
      %get3A_466 = arith.index_cast %scan3A_465 : i32 to index
      %get3A_467 = arith.constant 0 : index
      %get3A_468 = tpu.vector_load %arg7[%get3A_466, %get3A_467] {strides = array<i32>} : memref<160x128xi32, #tpu.memory_space<vmem>>, vector<1x16xi32>,
      %get3A_469 = vector.shape_cast %get3A_468 : vector<1x16xi32> to vector<16xi32>
      %add3A_470 = vector.broadcast %mul3A_8 : i32 to vector<16xi32>
      %add3A_471 = arith.addi %get3A_469, %add3A_470 : vector<16xi32>
      %swap3A_472 = arith.index_cast %scan3A_465 : i32 to index
      %swap3A_473 = arith.constant 0 : index
      %swap3A_474 = tpu.vector_load %arg7[%swap3A_472, %swap3A_473] {strides = array<i32>} : memref<160x128xi32, #tpu.memory_space<vmem>>, vector<1x16xi32>,
      %swap3A_475 = vector.shape_cast %swap3A_474 : vector<1x16xi32> to vector<16xi32>
      %swap3A_476 = vector.shape_cast %add3A_471 : vector<16xi32> to vector<1x16xi32>
      tpu.vector_store %arg7[%swap3A_472, %swap3A_473], %swap3A_476 {strides = array<i32>} : memref<160x128xi32, #tpu.memory_space<vmem>>, vector<1x16xi32>,
      %get3A_477 = arith.index_cast %scan3A_465 : i32 to index
      %get3A_478 = arith.constant 16 : index
      %get3A_479 = tpu.vector_load %arg7[%get3A_477, %get3A_478] {strides = array<i32>} : memref<160x128xi32, #tpu.memory_space<vmem>>, vector<1x16xi32>,
      %get3A_480 = vector.shape_cast %get3A_479 : vector<1x16xi32> to vector<16xi32>
      %add3A_481 = vector.broadcast %mul3A_8 : i32 to vector<16xi32>
      %add3A_482 = arith.addi %get3A_480, %add3A_481 : vector<16xi32>
      %swap3A_483 = arith.index_cast %scan3A_465 : i32 to index
      %swap3A_484 = arith.constant 16 : index
      %swap3A_485 = tpu.vector_load %arg7[%swap3A_483, %swap3A_484] {strides = array<i32>} : memref<160x128xi32, #tpu.memory_space<vmem>>, vector<1x16xi32>,
      %swap3A_486 = vector.shape_cast %swap3A_485 : vector<1x16xi32> to vector<16xi32>
      %swap3A_487 = vector.shape_cast %add3A_482 : vector<16xi32> to vector<1x16xi32>
      tpu.vector_store %arg7[%swap3A_483, %swap3A_484], %swap3A_487 {strides = array<i32>} : memref<160x128xi32, #tpu.memory_space<vmem>>, vector<1x16xi32>,
      %get3A_488 = arith.index_cast %scan3A_465 : i32 to index
      %get3A_489 = arith.constant 32 : index
      %get3A_490 = tpu.vector_load %arg7[%get3A_488, %get3A_489] {strides = array<i32>} : memref<160x128xi32, #tpu.memory_space<vmem>>, vector<1x16xi32>,
      %get3A_491 = vector.shape_cast %get3A_490 : vector<1x16xi32> to vector<16xi32>
      %add3A_492 = vector.broadcast %mul3A_8 : i32 to vector<16xi32>
      %add3A_493 = arith.addi %get3A_491, %add3A_492 : vector<16xi32>
      %swap3A_494 = arith.index_cast %scan3A_465 : i32 to index
      %swap3A_495 = arith.constant 32 : index
      %swap3A_496 = tpu.vector_load %arg7[%swap3A_494, %swap3A_495] {strides = array<i32>} : memref<160x128xi32, #tpu.memory_space<vmem>>, vector<1x16xi32>,
      %swap3A_497 = vector.shape_cast %swap3A_496 : vector<1x16xi32> to vector<16xi32>
      %swap3A_498 = vector.shape_cast %add3A_493 : vector<16xi32> to vector<1x16xi32>
      tpu.vector_store %arg7[%swap3A_494, %swap3A_495], %swap3A_498 {strides = array<i32>} : memref<160x128xi32, #tpu.memory_space<vmem>>, vector<1x16xi32>,
      %get3A_499 = arith.index_cast %scan3A_465 : i32 to index
      %get3A_500 = arith.constant 48 : index
      %get3A_501 = tpu.vector_load %arg7[%get3A_499, %get3A_500] {strides = array<i32>} : memref<160x128xi32, #tpu.memory_space<vmem>>, vector<1x16xi32>,
      %get3A_502 = vector.shape_cast %get3A_501 : vector<1x16xi32> to vector<16xi32>
      %add3A_503 = vector.broadcast %mul3A_8 : i32 to vector<16xi32>
      %add3A_504 = arith.addi %get3A_502, %add3A_503 : vector<16xi32>
      %swap3A_505 = arith.index_cast %scan3A_465 : i32 to index
      %swap3A_506 = arith.constant 48 : index
      %swap3A_507 = tpu.vector_load %arg7[%swap3A_505, %swap3A_506] {strides = array<i32>} : memref<160x128xi32, #tpu.memory_space<vmem>>, vector<1x16xi32>,
      %swap3A_508 = vector.shape_cast %swap3A_507 : vector<1x16xi32> to vector<16xi32>
      %swap3A_509 = vector.shape_cast %add3A_504 : vector<16xi32> to vector<1x16xi32>
      tpu.vector_store %arg7[%swap3A_505, %swap3A_506], %swap3A_509 {strides = array<i32>} : memref<160x128xi32, #tpu.memory_space<vmem>>, vector<1x16xi32>,
      %get3A_510 = arith.index_cast %scan3A_465 : i32 to index
      %get3A_511 = arith.constant 64 : index
      %get3A_512 = tpu.vector_load %arg7[%get3A_510, %get3A_511] {strides = array<i32>} : memref<160x128xi32, #tpu.memory_space<vmem>>, vector<1x16xi32>,
      %get3A_513 = vector.shape_cast %get3A_512 : vector<1x16xi32> to vector<16xi32>
      %add3A_514 = vector.broadcast %mul3A_8 : i32 to vector<16xi32>
      %add3A_515 = arith.addi %get3A_513, %add3A_514 : vector<16xi32>
      %swap3A_516 = arith.index_cast %scan3A_465 : i32 to index
      %swap3A_517 = arith.constant 64 : index
      %swap3A_518 = tpu.vector_load %arg7[%swap3A_516, %swap3A_517] {strides = array<i32>} : memref<160x128xi32, #tpu.memory_space<vmem>>, vector<1x16xi32>,
      %swap3A_519 = vector.shape_cast %swap3A_518 : vector<1x16xi32> to vector<16xi32>
      %swap3A_520 = vector.shape_cast %add3A_515 : vector<16xi32> to vector<1x16xi32>
      tpu.vector_store %arg7[%swap3A_516, %swap3A_517], %swap3A_520 {strides = array<i32>} : memref<160x128xi32, #tpu.memory_space<vmem>>, vector<1x16xi32>,
      %get3A_521 = arith.index_cast %scan3A_465 : i32 to index
      %get3A_522 = arith.constant 80 : index
      %get3A_523 = tpu.vector_load %arg7[%get3A_521, %get3A_522] {strides = array<i32>} : memref<160x128xi32, #tpu.memory_space<vmem>>, vector<1x16xi32>,
      %get3A_524 = vector.shape_cast %get3A_523 : vector<1x16xi32> to vector<16xi32>
      %add3A_525 = vector.broadcast %mul3A_8 : i32 to vector<16xi32>
      %add3A_526 = arith.addi %get3A_524, %add3A_525 : vector<16xi32>
      %swap3A_527 = arith.index_cast %scan3A_465 : i32 to index
      %swap3A_528 = arith.constant 80 : index
      %swap3A_529 = tpu.vector_load %arg7[%swap3A_527, %swap3A_528] {strides = array<i32>} : memref<160x128xi32, #tpu.memory_space<vmem>>, vector<1x16xi32>,
      %swap3A_530 = vector.shape_cast %swap3A_529 : vector<1x16xi32> to vector<16xi32>
      %swap3A_531 = vector.shape_cast %add3A_526 : vector<16xi32> to vector<1x16xi32>
      tpu.vector_store %arg7[%swap3A_527, %swap3A_528], %swap3A_531 {strides = array<i32>} : memref<160x128xi32, #tpu.memory_space<vmem>>, vector<1x16xi32>,
      %get3A_532 = arith.index_cast %scan3A_465 : i32 to index
      %get3A_533 = arith.constant 96 : index
      %get3A_534 = tpu.vector_load %arg7[%get3A_532, %get3A_533] {strides = array<i32>} : memref<160x128xi32, #tpu.memory_space<vmem>>, vector<1x16xi32>,
      %get3A_535 = vector.shape_cast %get3A_534 : vector<1x16xi32> to vector<16xi32>
      %add3A_536 = vector.broadcast %mul3A_8 : i32 to vector<16xi32>
      %add3A_537 = arith.addi %get3A_535, %add3A_536 : vector<16xi32>
      %swap3A_538 = arith.index_cast %scan3A_465 : i32 to index
      %swap3A_539 = arith.constant 96 : index
      %swap3A_540 = tpu.vector_load %arg7[%swap3A_538, %swap3A_539] {strides = array<i32>} : memref<160x128xi32, #tpu.memory_space<vmem>>, vector<1x16xi32>,
      %swap3A_541 = vector.shape_cast %swap3A_540 : vector<1x16xi32> to vector<16xi32>
      %swap3A_542 = vector.shape_cast %add3A_537 : vector<16xi32> to vector<1x16xi32>
      tpu.vector_store %arg7[%swap3A_538, %swap3A_539], %swap3A_542 {strides = array<i32>} : memref<160x128xi32, #tpu.memory_space<vmem>>, vector<1x16xi32>,
      %get3A_543 = arith.index_cast %scan3A_465 : i32 to index
      %get3A_544 = arith.constant 112 : index
      %get3A_545 = tpu.vector_load %arg7[%get3A_543, %get3A_544] {strides = array<i32>} : memref<160x128xi32, #tpu.memory_space<vmem>>, vector<1x16xi32>,
      %get3A_546 = vector.shape_cast %get3A_545 : vector<1x16xi32> to vector<16xi32>
      %add3A_547 = vector.broadcast %mul3A_8 : i32 to vector<16xi32>
      %add3A_548 = arith.addi %get3A_546, %add3A_547 : vector<16xi32>
      %swap3A_549 = arith.index_cast %scan3A_465 : i32 to index
      %swap3A_550 = arith.constant 112 : index
      %swap3A_551 = tpu.vector_load %arg7[%swap3A_549, %swap3A_550] {strides = array<i32>} : memref<160x128xi32, #tpu.memory_space<vmem>>, vector<1x16xi32>,
      %swap3A_552 = vector.shape_cast %swap3A_551 : vector<1x16xi32> to vector<16xi32>
      %swap3A_553 = vector.shape_cast %add3A_548 : vector<16xi32> to vector<1x16xi32>
      tpu.vector_store %arg7[%swap3A_549, %swap3A_550], %swap3A_553 {strides = array<i32>} : memref<160x128xi32, #tpu.memory_space<vmem>>, vector<1x16xi32>,
    }
    %scan3A_13 = arith.constant 160 : i32
    %barrier3A = arith.constant 0 : index
    tpu.barrier barrier_id(%barrier3A)
    %dma_start3A = arith.constant 0 : i32
    %dma_start3A_14 = arith.constant 0 : i32
    %dma_start3A_15 = arith.constant 0 : i32
    %dma_start3A_16 = arith.constant 0 : i32
    %dma_start3A_17 = arith.constant 0 : i32
    %dma_start3A_18 = tpu.memref_slice %arg9[%dma_start3A_14, %dma_start3A_15, %dma_start3A_16, %dma_start3A_17] : memref<2x5x128x64xbf16, #tpu.memory_space<vmem>> -> memref<1x1x128x64xbf16, #tpu.memory_space<vmem>>
    %dma_start3A_19 = tpu.memref_squeeze %dma_start3A_18 : memref<1x1x128x64xbf16, #tpu.memory_space<vmem>> -> memref<128x64xbf16, #tpu.memory_space<vmem>>
    %dma_start3A_20 = arith.constant 0 : i32
    %dma_start3A_21 = tpu.memref_slice %arg7[%dma_start3A, %dma_start3A_20] : memref<160x128xi32, #tpu.memory_space<vmem>> -> memref<1x128xi32, #tpu.memory_space<vmem>>
    %dma_start3A_22 = tpu.memref_squeeze %dma_start3A_21 : memref<1x128xi32, #tpu.memory_space<vmem>> -> memref<128xi32, #tpu.memory_space<vmem>>
    %dma_start3A_23 = arith.constant 0 : i32
    %dma_start3A_24 = arith.constant 0 : i32
    %dma_start3A_25 = tpu.memref_slice %arg2[%dma_start3A_23, %dma_start3A_24] : memref<20000x64xbf16, #tpu.memory_space<hbm>> -> memref<20000x64xbf16, #tpu.memory_space<hbm>>
    tpu.enqueue_indirect_dma source(%dma_start3A_25 : memref<20000x64xbf16, #tpu.memory_space<hbm>>) target(%dma_start3A_19 : memref<128x64xbf16, #tpu.memory_space<vmem>>) offsets(%dma_start3A_22 : memref<128xi32, #tpu.memory_space<vmem>>) semaphore(%arg11 : memref<!tpu.dma_semaphore, #tpu.memory_space<semaphore_mem>>)
    %dma_start3A_26 = arith.constant 1 : i32
    %dma_start3A_27 = arith.constant 0 : i32
    %dma_start3A_28 = arith.constant 1 : i32
    %dma_start3A_29 = arith.constant 0 : i32
    %dma_start3A_30 = arith.constant 0 : i32
    %dma_start3A_31 = tpu.memref_slice %arg9[%dma_start3A_27, %dma_start3A_28, %dma_start3A_29, %dma_start3A_30] : memref<2x5x128x64xbf16, #tpu.memory_space<vmem>> -> memref<1x1x128x64xbf16, #tpu.memory_space<vmem>>
    %dma_start3A_32 = tpu.memref_squeeze %dma_start3A_31 : memref<1x1x128x64xbf16, #tpu.memory_space<vmem>> -> memref<128x64xbf16, #tpu.memory_space<vmem>>
    %dma_start3A_33 = arith.constant 0 : i32
    %dma_start3A_34 = tpu.memref_slice %arg7[%dma_start3A_26, %dma_start3A_33] : memref<160x128xi32, #tpu.memory_space<vmem>> -> memref<1x128xi32, #tpu.memory_space<vmem>>
    %dma_start3A_35 = tpu.memref_squeeze %dma_start3A_34 : memref<1x128xi32, #tpu.memory_space<vmem>> -> memref<128xi32, #tpu.memory_space<vmem>>
    %dma_start3A_36 = arith.constant 0 : i32
    %dma_start3A_37 = arith.constant 0 : i32
    %dma_start3A_38 = tpu.memref_slice %arg2[%dma_start3A_36, %dma_start3A_37] : memref<20000x64xbf16, #tpu.memory_space<hbm>> -> memref<20000x64xbf16, #tpu.memory_space<hbm>>
    tpu.enqueue_indirect_dma source(%dma_start3A_38 : memref<20000x64xbf16, #tpu.memory_space<hbm>>) target(%dma_start3A_32 : memref<128x64xbf16, #tpu.memory_space<vmem>>) offsets(%dma_start3A_35 : memref<128xi32, #tpu.memory_space<vmem>>) semaphore(%arg11 : memref<!tpu.dma_semaphore, #tpu.memory_space<semaphore_mem>>)
    %dma_start3A_39 = arith.constant 2 : i32
    %dma_start3A_40 = arith.constant 0 : i32
    %dma_start3A_41 = arith.constant 2 : i32
    %dma_start3A_42 = arith.constant 0 : i32
    %dma_start3A_43 = arith.constant 0 : i32
    %dma_start3A_44 = tpu.memref_slice %arg9[%dma_start3A_40, %dma_start3A_41, %dma_start3A_42, %dma_start3A_43] : memref<2x5x128x64xbf16, #tpu.memory_space<vmem>> -> memref<1x1x128x64xbf16, #tpu.memory_space<vmem>>
    %dma_start3A_45 = tpu.memref_squeeze %dma_start3A_44 : memref<1x1x128x64xbf16, #tpu.memory_space<vmem>> -> memref<128x64xbf16, #tpu.memory_space<vmem>>
    %dma_start3A_46 = arith.constant 0 : i32
    %dma_start3A_47 = tpu.memref_slice %arg7[%dma_start3A_39, %dma_start3A_46] : memref<160x128xi32, #tpu.memory_space<vmem>> -> memref<1x128xi32, #tpu.memory_space<vmem>>
    %dma_start3A_48 = tpu.memref_squeeze %dma_start3A_47 : memref<1x128xi32, #tpu.memory_space<vmem>> -> memref<128xi32, #tpu.memory_space<vmem>>
    %dma_start3A_49 = arith.constant 0 : i32
    %dma_start3A_50 = arith.constant 0 : i32
    %dma_start3A_51 = tpu.memref_slice %arg2[%dma_start3A_49, %dma_start3A_50] : memref<20000x64xbf16, #tpu.memory_space<hbm>> -> memref<20000x64xbf16, #tpu.memory_space<hbm>>
    tpu.enqueue_indirect_dma source(%dma_start3A_51 : memref<20000x64xbf16, #tpu.memory_space<hbm>>) target(%dma_start3A_45 : memref<128x64xbf16, #tpu.memory_space<vmem>>) offsets(%dma_start3A_48 : memref<128xi32, #tpu.memory_space<vmem>>) semaphore(%arg11 : memref<!tpu.dma_semaphore, #tpu.memory_space<semaphore_mem>>)
    %dma_start3A_52 = arith.constant 3 : i32
    %dma_start3A_53 = arith.constant 0 : i32
    %dma_start3A_54 = arith.constant 3 : i32
    %dma_start3A_55 = arith.constant 0 : i32
    %dma_start3A_56 = arith.constant 0 : i32
    %dma_start3A_57 = tpu.memref_slice %arg9[%dma_start3A_53, %dma_start3A_54, %dma_start3A_55, %dma_start3A_56] : memref<2x5x128x64xbf16, #tpu.memory_space<vmem>> -> memref<1x1x128x64xbf16, #tpu.memory_space<vmem>>
    %dma_start3A_58 = tpu.memref_squeeze %dma_start3A_57 : memref<1x1x128x64xbf16, #tpu.memory_space<vmem>> -> memref<128x64xbf16, #tpu.memory_space<vmem>>
    %dma_start3A_59 = arith.constant 0 : i32
    %dma_start3A_60 = tpu.memref_slice %arg7[%dma_start3A_52, %dma_start3A_59] : memref<160x128xi32, #tpu.memory_space<vmem>> -> memref<1x128xi32, #tpu.memory_space<vmem>>
    %dma_start3A_61 = tpu.memref_squeeze %dma_start3A_60 : memref<1x128xi32, #tpu.memory_space<vmem>> -> memref<128xi32, #tpu.memory_space<vmem>>
    %dma_start3A_62 = arith.constant 0 : i32
    %dma_start3A_63 = arith.constant 0 : i32
    %dma_start3A_64 = tpu.memref_slice %arg2[%dma_start3A_62, %dma_start3A_63] : memref<20000x64xbf16, #tpu.memory_space<hbm>> -> memref<20000x64xbf16, #tpu.memory_space<hbm>>
    tpu.enqueue_indirect_dma source(%dma_start3A_64 : memref<20000x64xbf16, #tpu.memory_space<hbm>>) target(%dma_start3A_58 : memref<128x64xbf16, #tpu.memory_space<vmem>>) offsets(%dma_start3A_61 : memref<128xi32, #tpu.memory_space<vmem>>) semaphore(%arg11 : memref<!tpu.dma_semaphore, #tpu.memory_space<semaphore_mem>>)
    %dma_start3A_65 = arith.constant 4 : i32
    %dma_start3A_66 = arith.constant 0 : i32
    %dma_start3A_67 = arith.constant 4 : i32
    %dma_start3A_68 = arith.constant 0 : i32
    %dma_start3A_69 = arith.constant 0 : i32
    %dma_start3A_70 = tpu.memref_slice %arg9[%dma_start3A_66, %dma_start3A_67, %dma_start3A_68, %dma_start3A_69] : memref<2x5x128x64xbf16, #tpu.memory_space<vmem>> -> memref<1x1x128x64xbf16, #tpu.memory_space<vmem>>
    %dma_start3A_71 = tpu.memref_squeeze %dma_start3A_70 : memref<1x1x128x64xbf16, #tpu.memory_space<vmem>> -> memref<128x64xbf16, #tpu.memory_space<vmem>>
    %dma_start3A_72 = arith.constant 0 : i32
    %dma_start3A_73 = tpu.memref_slice %arg7[%dma_start3A_65, %dma_start3A_72] : memref<160x128xi32, #tpu.memory_space<vmem>> -> memref<1x128xi32, #tpu.memory_space<vmem>>
    %dma_start3A_74 = tpu.memref_squeeze %dma_start3A_73 : memref<1x128xi32, #tpu.memory_space<vmem>> -> memref<128xi32, #tpu.memory_space<vmem>>
    %dma_start3A_75 = arith.constant 0 : i32
    %dma_start3A_76 = arith.constant 0 : i32
    %dma_start3A_77 = tpu.memref_slice %arg2[%dma_start3A_75, %dma_start3A_76] : memref<20000x64xbf16, #tpu.memory_space<hbm>> -> memref<20000x64xbf16, #tpu.memory_space<hbm>>
    tpu.enqueue_indirect_dma source(%dma_start3A_77 : memref<20000x64xbf16, #tpu.memory_space<hbm>>) target(%dma_start3A_71 : memref<128x64xbf16, #tpu.memory_space<vmem>>) offsets(%dma_start3A_74 : memref<128xi32, #tpu.memory_space<vmem>>) semaphore(%arg11 : memref<!tpu.dma_semaphore, #tpu.memory_space<semaphore_mem>>)
    %scan3A_78 = arith.constant 0 : i32
    %scan3A_79 = arith.constant 0 : i32
    %scan3A_80 = arith.constant 32 : i32
    %scan3A_81 = arith.addi %scan3A_79, %scan3A_80 : i32
    %scan3A_82 = arith.constant 1 : i32
    scf.for %scan3A_198 = %scan3A_79 to %scan3A_81 step %scan3A_82  : i32 {
      %rem3A = arith.constant 2 : i32
      %rem3A_199 = arith.remsi %scan3A_198, %rem3A : i32
      %sub3A = arith.constant 1 : i32
      %sub3A_200 = arith.subi %sub3A, %rem3A_199 : i32
      %mul3A_201 = arith.constant 5 : i32
      %mul3A_202 = arith.muli %scan3A_198, %mul3A_201 : i32
      %add3A = arith.constant 5 : i32
      %add3A_203 = arith.addi %mul3A_202, %add3A : i32
      %min3A = arith.constant 155 : i32
      %min3A_204 = arith.minsi %add3A_203, %min3A : i32
      %dma_wait3A_205 = arith.constant 0 : i32
      %dma_wait3A_206 = arith.constant 0 : i32
      %dma_wait3A_207 = arith.constant 0 : i32
      %dma_wait3A_208 = tpu.memref_slice %arg9[%rem3A_199, %dma_wait3A_205, %dma_wait3A_206, %dma_wait3A_207] : memref<2x5x128x64xbf16, #tpu.memory_space<vmem>> -> memref<1x1x128x64xbf16, #tpu.memory_space<vmem>>
      %dma_wait3A_209 = tpu.memref_squeeze %dma_wait3A_208 : memref<1x1x128x64xbf16, #tpu.memory_space<vmem>> -> memref<128x64xbf16, #tpu.memory_space<vmem>>
      %dma_wait3A_210 = arith.constant 0 : i32
      %dma_wait3A_211 = arith.constant 0 : i32
      %dma_wait3A_212 = tpu.memref_slice %arg2[%dma_wait3A_210, %dma_wait3A_211] : memref<20000x64xbf16, #tpu.memory_space<hbm>> -> memref<128x64xbf16, #tpu.memory_space<hbm>>
      %dma_wait3A_213 = arith.constant 0 : i32
      %dma_wait3A_214 = arith.constant 0 : i32
      %dma_wait3A_215 = tpu.memref_slice %arg9[%rem3A_199, %dma_wait3A_205, %dma_wait3A_213, %dma_wait3A_214] : memref<2x5x128x64xbf16, #tpu.memory_space<vmem>> -> memref<1x1x128x64xbf16, #tpu.memory_space<vmem>>
      %dma_wait3A_216 = tpu.memref_squeeze %dma_wait3A_215 : memref<1x1x128x64xbf16, #tpu.memory_space<vmem>> -> memref<128x64xbf16, #tpu.memory_space<vmem>>
      %dma_wait3A_217 = arith.constant 0 : i32
      %dma_wait3A_218 = arith.constant 0 : i32
      %dma_wait3A_219 = tpu.memref_slice %arg2[%dma_wait3A_217, %dma_wait3A_218] : memref<20000x64xbf16, #tpu.memory_space<hbm>> -> memref<128x64xbf16, #tpu.memory_space<hbm>>
      tpu.wait_dma2 semaphore(%arg11 : memref<!tpu.dma_semaphore, #tpu.memory_space<semaphore_mem>>) src(%dma_wait3A_219 : memref<128x64xbf16, #tpu.memory_space<hbm>>) dst(%dma_wait3A_216 : memref<128x64xbf16, #tpu.memory_space<vmem>>)
      %dma_wait3A_220 = arith.constant 1 : i32
      %dma_wait3A_221 = arith.constant 0 : i32
      %dma_wait3A_222 = arith.constant 0 : i32
      %dma_wait3A_223 = tpu.memref_slice %arg9[%rem3A_199, %dma_wait3A_220, %dma_wait3A_221, %dma_wait3A_222] : memref<2x5x128x64xbf16, #tpu.memory_space<vmem>> -> memref<1x1x128x64xbf16, #tpu.memory_space<vmem>>
      %dma_wait3A_224 = tpu.memref_squeeze %dma_wait3A_223 : memref<1x1x128x64xbf16, #tpu.memory_space<vmem>> -> memref<128x64xbf16, #tpu.memory_space<vmem>>
      %dma_wait3A_225 = arith.constant 0 : i32
      %dma_wait3A_226 = arith.constant 0 : i32
      %dma_wait3A_227 = tpu.memref_slice %arg2[%dma_wait3A_225, %dma_wait3A_226] : memref<20000x64xbf16, #tpu.memory_space<hbm>> -> memref<128x64xbf16, #tpu.memory_space<hbm>>
      %dma_wait3A_228 = arith.constant 0 : i32
      %dma_wait3A_229 = arith.constant 0 : i32
      %dma_wait3A_230 = tpu.memref_slice %arg9[%rem3A_199, %dma_wait3A_220, %dma_wait3A_228, %dma_wait3A_229] : memref<2x5x128x64xbf16, #tpu.memory_space<vmem>> -> memref<1x1x128x64xbf16, #tpu.memory_space<vmem>>
      %dma_wait3A_231 = tpu.memref_squeeze %dma_wait3A_230 : memref<1x1x128x64xbf16, #tpu.memory_space<vmem>> -> memref<128x64xbf16, #tpu.memory_space<vmem>>
      %dma_wait3A_232 = arith.constant 0 : i32
      %dma_wait3A_233 = arith.constant 0 : i32
      %dma_wait3A_234 = tpu.memref_slice %arg2[%dma_wait3A_232, %dma_wait3A_233] : memref<20000x64xbf16, #tpu.memory_space<hbm>> -> memref<128x64xbf16, #tpu.memory_space<hbm>>
      tpu.wait_dma2 semaphore(%arg11 : memref<!tpu.dma_semaphore, #tpu.memory_space<semaphore_mem>>) src(%dma_wait3A_234 : memref<128x64xbf16, #tpu.memory_space<hbm>>) dst(%dma_wait3A_231 : memref<128x64xbf16, #tpu.memory_space<vmem>>)
      %dma_wait3A_235 = arith.constant 2 : i32
      %dma_wait3A_236 = arith.constant 0 : i32
      %dma_wait3A_237 = arith.constant 0 : i32
      %dma_wait3A_238 = tpu.memref_slice %arg9[%rem3A_199, %dma_wait3A_235, %dma_wait3A_236, %dma_wait3A_237] : memref<2x5x128x64xbf16, #tpu.memory_space<vmem>> -> memref<1x1x128x64xbf16, #tpu.memory_space<vmem>>
      %dma_wait3A_239 = tpu.memref_squeeze %dma_wait3A_238 : memref<1x1x128x64xbf16, #tpu.memory_space<vmem>> -> memref<128x64xbf16, #tpu.memory_space<vmem>>
      %dma_wait3A_240 = arith.constant 0 : i32
      %dma_wait3A_241 = arith.constant 0 : i32
      %dma_wait3A_242 = tpu.memref_slice %arg2[%dma_wait3A_240, %dma_wait3A_241] : memref<20000x64xbf16, #tpu.memory_space<hbm>> -> memref<128x64xbf16, #tpu.memory_space<hbm>>
      %dma_wait3A_243 = arith.constant 0 : i32
      %dma_wait3A_244 = arith.constant 0 : i32
      %dma_wait3A_245 = tpu.memref_slice %arg9[%rem3A_199, %dma_wait3A_235, %dma_wait3A_243, %dma_wait3A_244] : memref<2x5x128x64xbf16, #tpu.memory_space<vmem>> -> memref<1x1x128x64xbf16, #tpu.memory_space<vmem>>
      %dma_wait3A_246 = tpu.memref_squeeze %dma_wait3A_245 : memref<1x1x128x64xbf16, #tpu.memory_space<vmem>> -> memref<128x64xbf16, #tpu.memory_space<vmem>>
      %dma_wait3A_247 = arith.constant 0 : i32
      %dma_wait3A_248 = arith.constant 0 : i32
      %dma_wait3A_249 = tpu.memref_slice %arg2[%dma_wait3A_247, %dma_wait3A_248] : memref<20000x64xbf16, #tpu.memory_space<hbm>> -> memref<128x64xbf16, #tpu.memory_space<hbm>>
      tpu.wait_dma2 semaphore(%arg11 : memref<!tpu.dma_semaphore, #tpu.memory_space<semaphore_mem>>) src(%dma_wait3A_249 : memref<128x64xbf16, #tpu.memory_space<hbm>>) dst(%dma_wait3A_246 : memref<128x64xbf16, #tpu.memory_space<vmem>>)
      %dma_wait3A_250 = arith.constant 3 : i32
      %dma_wait3A_251 = arith.constant 0 : i32
      %dma_wait3A_252 = arith.constant 0 : i32
      %dma_wait3A_253 = tpu.memref_slice %arg9[%rem3A_199, %dma_wait3A_250, %dma_wait3A_251, %dma_wait3A_252] : memref<2x5x128x64xbf16, #tpu.memory_space<vmem>> -> memref<1x1x128x64xbf16, #tpu.memory_space<vmem>>
      %dma_wait3A_254 = tpu.memref_squeeze %dma_wait3A_253 : memref<1x1x128x64xbf16, #tpu.memory_space<vmem>> -> memref<128x64xbf16, #tpu.memory_space<vmem>>
      %dma_wait3A_255 = arith.constant 0 : i32
      %dma_wait3A_256 = arith.constant 0 : i32
      %dma_wait3A_257 = tpu.memref_slice %arg2[%dma_wait3A_255, %dma_wait3A_256] : memref<20000x64xbf16, #tpu.memory_space<hbm>> -> memref<128x64xbf16, #tpu.memory_space<hbm>>
      %dma_wait3A_258 = arith.constant 0 : i32
      %dma_wait3A_259 = arith.constant 0 : i32
      %dma_wait3A_260 = tpu.memref_slice %arg9[%rem3A_199, %dma_wait3A_250, %dma_wait3A_258, %dma_wait3A_259] : memref<2x5x128x64xbf16, #tpu.memory_space<vmem>> -> memref<1x1x128x64xbf16, #tpu.memory_space<vmem>>
      %dma_wait3A_261 = tpu.memref_squeeze %dma_wait3A_260 : memref<1x1x128x64xbf16, #tpu.memory_space<vmem>> -> memref<128x64xbf16, #tpu.memory_space<vmem>>
      %dma_wait3A_262 = arith.constant 0 : i32
      %dma_wait3A_263 = arith.constant 0 : i32
      %dma_wait3A_264 = tpu.memref_slice %arg2[%dma_wait3A_262, %dma_wait3A_263] : memref<20000x64xbf16, #tpu.memory_space<hbm>> -> memref<128x64xbf16, #tpu.memory_space<hbm>>
      tpu.wait_dma2 semaphore(%arg11 : memref<!tpu.dma_semaphore, #tpu.memory_space<semaphore_mem>>) src(%dma_wait3A_264 : memref<128x64xbf16, #tpu.memory_space<hbm>>) dst(%dma_wait3A_261 : memref<128x64xbf16, #tpu.memory_space<vmem>>)
      %dma_wait3A_265 = arith.constant 4 : i32
      %dma_wait3A_266 = arith.constant 0 : i32
      %dma_wait3A_267 = arith.constant 0 : i32
      %dma_wait3A_268 = tpu.memref_slice %arg9[%rem3A_199, %dma_wait3A_265, %dma_wait3A_266, %dma_wait3A_267] : memref<2x5x128x64xbf16, #tpu.memory_space<vmem>> -> memref<1x1x128x64xbf16, #tpu.memory_space<vmem>>
      %dma_wait3A_269 = tpu.memref_squeeze %dma_wait3A_268 : memref<1x1x128x64xbf16, #tpu.memory_space<vmem>> -> memref<128x64xbf16, #tpu.memory_space<vmem>>
      %dma_wait3A_270 = arith.constant 0 : i32
      %dma_wait3A_271 = arith.constant 0 : i32
      %dma_wait3A_272 = tpu.memref_slice %arg2[%dma_wait3A_270, %dma_wait3A_271] : memref<20000x64xbf16, #tpu.memory_space<hbm>> -> memref<128x64xbf16, #tpu.memory_space<hbm>>
      %dma_wait3A_273 = arith.constant 0 : i32
      %dma_wait3A_274 = arith.constant 0 : i32
      %dma_wait3A_275 = tpu.memref_slice %arg9[%rem3A_199, %dma_wait3A_265, %dma_wait3A_273, %dma_wait3A_274] : memref<2x5x128x64xbf16, #tpu.memory_space<vmem>> -> memref<1x1x128x64xbf16, #tpu.memory_space<vmem>>
      %dma_wait3A_276 = tpu.memref_squeeze %dma_wait3A_275 : memref<1x1x128x64xbf16, #tpu.memory_space<vmem>> -> memref<128x64xbf16, #tpu.memory_space<vmem>>
      %dma_wait3A_277 = arith.constant 0 : i32
      %dma_wait3A_278 = arith.constant 0 : i32
      %dma_wait3A_279 = tpu.memref_slice %arg2[%dma_wait3A_277, %dma_wait3A_278] : memref<20000x64xbf16, #tpu.memory_space<hbm>> -> memref<128x64xbf16, #tpu.memory_space<hbm>>
      tpu.wait_dma2 semaphore(%arg11 : memref<!tpu.dma_semaphore, #tpu.memory_space<semaphore_mem>>) src(%dma_wait3A_279 : memref<128x64xbf16, #tpu.memory_space<hbm>>) dst(%dma_wait3A_276 : memref<128x64xbf16, #tpu.memory_space<vmem>>)
      %gt3A = arith.constant 0 : i32
      %gt3A_280 = arith.cmpi sgt, %scan3A_198, %gt3A : i32
      %convert_element_type3A = arith.extui %gt3A_280 : i1 to i32
      %cond3A = arith.constant 0 : i32
      %cond3A_281 = arith.cmpi ne, %convert_element_type3A, %cond3A : i32
      scf.if %cond3A_281 {
        %dma_wait3A_412 = arith.constant 0 : i32
        %dma_wait3A_413 = arith.constant 0 : i32
        %dma_wait3A_414 = tpu.memref_slice %arg10[%dma_wait3A_412, %dma_wait3A_413] : memref<10112x64xbf16, #tpu.memory_space<vmem_shared>> -> memref<128x64xbf16, #tpu.memory_space<vmem_shared>>
        %dma_wait3A_415 = arith.constant 0 : i32
        %dma_wait3A_416 = arith.constant 0 : i32
        %dma_wait3A_417 = tpu.memref_slice %arg2[%dma_wait3A_415, %dma_wait3A_416] : memref<20000x64xbf16, #tpu.memory_space<hbm>> -> memref<128x64xbf16, #tpu.memory_space<hbm>>
        tpu.wait_dma2 semaphore(%arg12 : memref<!tpu.dma_semaphore, #tpu.memory_space<semaphore_mem>>) src(%dma_wait3A_417 : memref<128x64xbf16, #tpu.memory_space<hbm>>) dst(%dma_wait3A_414 : memref<128x64xbf16, #tpu.memory_space<vmem_shared>>)
        %dma_wait3A_418 = arith.constant 0 : i32
        %dma_wait3A_419 = arith.constant 0 : i32
        %dma_wait3A_420 = tpu.memref_slice %arg10[%dma_wait3A_418, %dma_wait3A_419] : memref<10112x64xbf16, #tpu.memory_space<vmem_shared>> -> memref<128x64xbf16, #tpu.memory_space<vmem_shared>>
        %dma_wait3A_421 = arith.constant 0 : i32
        %dma_wait3A_422 = arith.constant 0 : i32
        %dma_wait3A_423 = tpu.memref_slice %arg2[%dma_wait3A_421, %dma_wait3A_422] : memref<20000x64xbf16, #tpu.memory_space<hbm>> -> memref<128x64xbf16, #tpu.memory_space<hbm>>
        tpu.wait_dma2 semaphore(%arg12 : memref<!tpu.dma_semaphore, #tpu.memory_space<semaphore_mem>>) src(%dma_wait3A_423 : memref<128x64xbf16, #tpu.memory_space<hbm>>) dst(%dma_wait3A_420 : memref<128x64xbf16, #tpu.memory_space<vmem_shared>>)
        %dma_wait3A_424 = arith.constant 0 : i32
        %dma_wait3A_425 = arith.constant 0 : i32
        %dma_wait3A_426 = tpu.memref_slice %arg10[%dma_wait3A_424, %dma_wait3A_425] : memref<10112x64xbf16, #tpu.memory_space<vmem_shared>> -> memref<128x64xbf16, #tpu.memory_space<vmem_shared>>
        %dma_wait3A_427 = arith.constant 0 : i32
        %dma_wait3A_428 = arith.constant 0 : i32
        %dma_wait3A_429 = tpu.memref_slice %arg2[%dma_wait3A_427, %dma_wait3A_428] : memref<20000x64xbf16, #tpu.memory_space<hbm>> -> memref<128x64xbf16, #tpu.memory_space<hbm>>
        tpu.wait_dma2 semaphore(%arg12 : memref<!tpu.dma_semaphore, #tpu.memory_space<semaphore_mem>>) src(%dma_wait3A_429 : memref<128x64xbf16, #tpu.memory_space<hbm>>) dst(%dma_wait3A_426 : memref<128x64xbf16, #tpu.memory_space<vmem_shared>>)
        %dma_wait3A_430 = arith.constant 0 : i32
        %dma_wait3A_431 = arith.constant 0 : i32
        %dma_wait3A_432 = tpu.memref_slice %arg10[%dma_wait3A_430, %dma_wait3A_431] : memref<10112x64xbf16, #tpu.memory_space<vmem_shared>> -> memref<128x64xbf16, #tpu.memory_space<vmem_shared>>
        %dma_wait3A_433 = arith.constant 0 : i32
        %dma_wait3A_434 = arith.constant 0 : i32
        %dma_wait3A_435 = tpu.memref_slice %arg2[%dma_wait3A_433, %dma_wait3A_434] : memref<20000x64xbf16, #tpu.memory_space<hbm>> -> memref<128x64xbf16, #tpu.memory_space<hbm>>
        tpu.wait_dma2 semaphore(%arg12 : memref<!tpu.dma_semaphore, #tpu.memory_space<semaphore_mem>>) src(%dma_wait3A_435 : memref<128x64xbf16, #tpu.memory_space<hbm>>) dst(%dma_wait3A_432 : memref<128x64xbf16, #tpu.memory_space<vmem_shared>>)
        %dma_wait3A_436 = arith.constant 0 : i32
        %dma_wait3A_437 = arith.constant 0 : i32
        %dma_wait3A_438 = tpu.memref_slice %arg10[%dma_wait3A_436, %dma_wait3A_437] : memref<10112x64xbf16, #tpu.memory_space<vmem_shared>> -> memref<128x64xbf16, #tpu.memory_space<vmem_shared>>
        %dma_wait3A_439 = arith.constant 0 : i32
        %dma_wait3A_440 = arith.constant 0 : i32
        %dma_wait3A_441 = tpu.memref_slice %arg2[%dma_wait3A_439, %dma_wait3A_440] : memref<20000x64xbf16, #tpu.memory_space<hbm>> -> memref<128x64xbf16, #tpu.memory_space<hbm>>
        tpu.wait_dma2 semaphore(%arg12 : memref<!tpu.dma_semaphore, #tpu.memory_space<semaphore_mem>>) src(%dma_wait3A_441 : memref<128x64xbf16, #tpu.memory_space<hbm>>) dst(%dma_wait3A_438 : memref<128x64xbf16, #tpu.memory_space<vmem_shared>>)
      } else {
      }
      %add3A_282 = arith.constant 0 : i32
      %add3A_283 = arith.addi %min3A_204, %add3A_282 : i32
      %dma_start3A_284 = arith.constant 0 : i32
      %dma_start3A_285 = arith.constant 0 : i32
      %dma_start3A_286 = arith.constant 0 : i32
      %dma_start3A_287 = tpu.memref_slice %arg9[%sub3A_200, %dma_start3A_284, %dma_start3A_285, %dma_start3A_286] : memref<2x5x128x64xbf16, #tpu.memory_space<vmem>> -> memref<1x1x128x64xbf16, #tpu.memory_space<vmem>>
      %dma_start3A_288 = tpu.memref_squeeze %dma_start3A_287 : memref<1x1x128x64xbf16, #tpu.memory_space<vmem>> -> memref<128x64xbf16, #tpu.memory_space<vmem>>
      %dma_start3A_289 = arith.constant 0 : i32
      %dma_start3A_290 = tpu.memref_slice %arg7[%add3A_283, %dma_start3A_289] : memref<160x128xi32, #tpu.memory_space<vmem>> -> memref<1x128xi32, #tpu.memory_space<vmem>>
      %dma_start3A_291 = tpu.memref_squeeze %dma_start3A_290 : memref<1x128xi32, #tpu.memory_space<vmem>> -> memref<128xi32, #tpu.memory_space<vmem>>
      %dma_start3A_292 = arith.constant 0 : i32
      %dma_start3A_293 = arith.constant 0 : i32
      %dma_start3A_294 = tpu.memref_slice %arg2[%dma_start3A_292, %dma_start3A_293] : memref<20000x64xbf16, #tpu.memory_space<hbm>> -> memref<20000x64xbf16, #tpu.memory_space<hbm>>
      tpu.enqueue_indirect_dma source(%dma_start3A_294 : memref<20000x64xbf16, #tpu.memory_space<hbm>>) target(%dma_start3A_288 : memref<128x64xbf16, #tpu.memory_space<vmem>>) offsets(%dma_start3A_291 : memref<128xi32, #tpu.memory_space<vmem>>) semaphore(%arg11 : memref<!tpu.dma_semaphore, #tpu.memory_space<semaphore_mem>>)
      %add3A_295 = arith.constant 1 : i32
      %add3A_296 = arith.addi %min3A_204, %add3A_295 : i32
      %dma_start3A_297 = arith.constant 1 : i32
      %dma_start3A_298 = arith.constant 0 : i32
      %dma_start3A_299 = arith.constant 0 : i32
      %dma_start3A_300 = tpu.memref_slice %arg9[%sub3A_200, %dma_start3A_297, %dma_start3A_298, %dma_start3A_299] : memref<2x5x128x64xbf16, #tpu.memory_space<vmem>> -> memref<1x1x128x64xbf16, #tpu.memory_space<vmem>>
      %dma_start3A_301 = tpu.memref_squeeze %dma_start3A_300 : memref<1x1x128x64xbf16, #tpu.memory_space<vmem>> -> memref<128x64xbf16, #tpu.memory_space<vmem>>
      %dma_start3A_302 = arith.constant 0 : i32
      %dma_start3A_303 = tpu.memref_slice %arg7[%add3A_296, %dma_start3A_302] : memref<160x128xi32, #tpu.memory_space<vmem>> -> memref<1x128xi32, #tpu.memory_space<vmem>>
      %dma_start3A_304 = tpu.memref_squeeze %dma_start3A_303 : memref<1x128xi32, #tpu.memory_space<vmem>> -> memref<128xi32, #tpu.memory_space<vmem>>
      %dma_start3A_305 = arith.constant 0 : i32
      %dma_start3A_306 = arith.constant 0 : i32
      %dma_start3A_307 = tpu.memref_slice %arg2[%dma_start3A_305, %dma_start3A_306] : memref<20000x64xbf16, #tpu.memory_space<hbm>> -> memref<20000x64xbf16, #tpu.memory_space<hbm>>
      tpu.enqueue_indirect_dma source(%dma_start3A_307 : memref<20000x64xbf16, #tpu.memory_space<hbm>>) target(%dma_start3A_301 : memref<128x64xbf16, #tpu.memory_space<vmem>>) offsets(%dma_start3A_304 : memref<128xi32, #tpu.memory_space<vmem>>) semaphore(%arg11 : memref<!tpu.dma_semaphore, #tpu.memory_space<semaphore_mem>>)
      %add3A_308 = arith.constant 2 : i32
      %add3A_309 = arith.addi %min3A_204, %add3A_308 : i32
      %dma_start3A_310 = arith.constant 2 : i32
      %dma_start3A_311 = arith.constant 0 : i32
      %dma_start3A_312 = arith.constant 0 : i32
      %dma_start3A_313 = tpu.memref_slice %arg9[%sub3A_200, %dma_start3A_310, %dma_start3A_311, %dma_start3A_312] : memref<2x5x128x64xbf16, #tpu.memory_space<vmem>> -> memref<1x1x128x64xbf16, #tpu.memory_space<vmem>>
      %dma_start3A_314 = tpu.memref_squeeze %dma_start3A_313 : memref<1x1x128x64xbf16, #tpu.memory_space<vmem>> -> memref<128x64xbf16, #tpu.memory_space<vmem>>
      %dma_start3A_315 = arith.constant 0 : i32
      %dma_start3A_316 = tpu.memref_slice %arg7[%add3A_309, %dma_start3A_315] : memref<160x128xi32, #tpu.memory_space<vmem>> -> memref<1x128xi32, #tpu.memory_space<vmem>>
      %dma_start3A_317 = tpu.memref_squeeze %dma_start3A_316 : memref<1x128xi32, #tpu.memory_space<vmem>> -> memref<128xi32, #tpu.memory_space<vmem>>
      %dma_start3A_318 = arith.constant 0 : i32
      %dma_start3A_319 = arith.constant 0 : i32
      %dma_start3A_320 = tpu.memref_slice %arg2[%dma_start3A_318, %dma_start3A_319] : memref<20000x64xbf16, #tpu.memory_space<hbm>> -> memref<20000x64xbf16, #tpu.memory_space<hbm>>
      tpu.enqueue_indirect_dma source(%dma_start3A_320 : memref<20000x64xbf16, #tpu.memory_space<hbm>>) target(%dma_start3A_314 : memref<128x64xbf16, #tpu.memory_space<vmem>>) offsets(%dma_start3A_317 : memref<128xi32, #tpu.memory_space<vmem>>) semaphore(%arg11 : memref<!tpu.dma_semaphore, #tpu.memory_space<semaphore_mem>>)
      %add3A_321 = arith.constant 3 : i32
      %add3A_322 = arith.addi %min3A_204, %add3A_321 : i32
      %dma_start3A_323 = arith.constant 3 : i32
      %dma_start3A_324 = arith.constant 0 : i32
      %dma_start3A_325 = arith.constant 0 : i32
      %dma_start3A_326 = tpu.memref_slice %arg9[%sub3A_200, %dma_start3A_323, %dma_start3A_324, %dma_start3A_325] : memref<2x5x128x64xbf16, #tpu.memory_space<vmem>> -> memref<1x1x128x64xbf16, #tpu.memory_space<vmem>>
      %dma_start3A_327 = tpu.memref_squeeze %dma_start3A_326 : memref<1x1x128x64xbf16, #tpu.memory_space<vmem>> -> memref<128x64xbf16, #tpu.memory_space<vmem>>
      %dma_start3A_328 = arith.constant 0 : i32
      %dma_start3A_329 = tpu.memref_slice %arg7[%add3A_322, %dma_start3A_328] : memref<160x128xi32, #tpu.memory_space<vmem>> -> memref<1x128xi32, #tpu.memory_space<vmem>>
      %dma_start3A_330 = tpu.memref_squeeze %dma_start3A_329 : memref<1x128xi32, #tpu.memory_space<vmem>> -> memref<128xi32, #tpu.memory_space<vmem>>
      %dma_start3A_331 = arith.constant 0 : i32
      %dma_start3A_332 = arith.constant 0 : i32
      %dma_start3A_333 = tpu.memref_slice %arg2[%dma_start3A_331, %dma_start3A_332] : memref<20000x64xbf16, #tpu.memory_space<hbm>> -> memref<20000x64xbf16, #tpu.memory_space<hbm>>
      tpu.enqueue_indirect_dma source(%dma_start3A_333 : memref<20000x64xbf16, #tpu.memory_space<hbm>>) target(%dma_start3A_327 : memref<128x64xbf16, #tpu.memory_space<vmem>>) offsets(%dma_start3A_330 : memref<128xi32, #tpu.memory_space<vmem>>) semaphore(%arg11 : memref<!tpu.dma_semaphore, #tpu.memory_space<semaphore_mem>>)
      %add3A_334 = arith.constant 4 : i32
      %add3A_335 = arith.addi %min3A_204, %add3A_334 : i32
      %dma_start3A_336 = arith.constant 4 : i32
      %dma_start3A_337 = arith.constant 0 : i32
      %dma_start3A_338 = arith.constant 0 : i32
      %dma_start3A_339 = tpu.memref_slice %arg9[%sub3A_200, %dma_start3A_336, %dma_start3A_337, %dma_start3A_338] : memref<2x5x128x64xbf16, #tpu.memory_space<vmem>> -> memref<1x1x128x64xbf16, #tpu.memory_space<vmem>>
      %dma_start3A_340 = tpu.memref_squeeze %dma_start3A_339 : memref<1x1x128x64xbf16, #tpu.memory_space<vmem>> -> memref<128x64xbf16, #tpu.memory_space<vmem>>
      %dma_start3A_341 = arith.constant 0 : i32
      %dma_start3A_342 = tpu.memref_slice %arg7[%add3A_335, %dma_start3A_341] : memref<160x128xi32, #tpu.memory_space<vmem>> -> memref<1x128xi32, #tpu.memory_space<vmem>>
      %dma_start3A_343 = tpu.memref_squeeze %dma_start3A_342 : memref<1x128xi32, #tpu.memory_space<vmem>> -> memref<128xi32, #tpu.memory_space<vmem>>
      %dma_start3A_344 = arith.constant 0 : i32
      %dma_start3A_345 = arith.constant 0 : i32
      %dma_start3A_346 = tpu.memref_slice %arg2[%dma_start3A_344, %dma_start3A_345] : memref<20000x64xbf16, #tpu.memory_space<hbm>> -> memref<20000x64xbf16, #tpu.memory_space<hbm>>
      tpu.enqueue_indirect_dma source(%dma_start3A_346 : memref<20000x64xbf16, #tpu.memory_space<hbm>>) target(%dma_start3A_340 : memref<128x64xbf16, #tpu.memory_space<vmem>>) offsets(%dma_start3A_343 : memref<128xi32, #tpu.memory_space<vmem>>) semaphore(%arg11 : memref<!tpu.dma_semaphore, #tpu.memory_space<semaphore_mem>>)
      %add3A_347 = arith.constant 0 : i32
      %add3A_348 = arith.addi %mul3A_202, %add3A_347 : i32
      %dma_start3A_349 = arith.constant 0 : i32
      %dma_start3A_350 = arith.constant 0 : i32
      %dma_start3A_351 = arith.constant 0 : i32
      %dma_start3A_352 = tpu.memref_slice %arg9[%rem3A_199, %dma_start3A_349, %dma_start3A_350, %dma_start3A_351] : memref<2x5x128x64xbf16, #tpu.memory_space<vmem>> -> memref<1x1x128x64xbf16, #tpu.memory_space<vmem>>
      %dma_start3A_353 = tpu.memref_squeeze %dma_start3A_352 : memref<1x1x128x64xbf16, #tpu.memory_space<vmem>> -> memref<128x64xbf16, #tpu.memory_space<vmem>>
      %dma_start3A_354 = arith.constant 0 : i32
      %dma_start3A_355 = tpu.memref_slice %arg8[%add3A_348, %dma_start3A_354] : memref<160x128xi32, #tpu.memory_space<vmem>> -> memref<1x128xi32, #tpu.memory_space<vmem>>
      %dma_start3A_356 = tpu.memref_squeeze %dma_start3A_355 : memref<1x128xi32, #tpu.memory_space<vmem>> -> memref<128xi32, #tpu.memory_space<vmem>>
      %dma_start3A_357 = arith.constant 0 : i32
      %dma_start3A_358 = arith.constant 0 : i32
      %dma_start3A_359 = tpu.memref_slice %arg10[%dma_start3A_357, %dma_start3A_358] : memref<10112x64xbf16, #tpu.memory_space<vmem_shared>> -> memref<10112x64xbf16, #tpu.memory_space<vmem_shared>>
      tpu.enqueue_indirect_dma source(%dma_start3A_353 : memref<128x64xbf16, #tpu.memory_space<vmem>>) target(%dma_start3A_359 : memref<10112x64xbf16, #tpu.memory_space<vmem_shared>>) offsets(%dma_start3A_356 : memref<128xi32, #tpu.memory_space<vmem>>) semaphore(%arg12 : memref<!tpu.dma_semaphore, #tpu.memory_space<semaphore_mem>>) {add = true}
      %add3A_360 = arith.constant 1 : i32
      %add3A_361 = arith.addi %mul3A_202, %add3A_360 : i32
      %dma_start3A_362 = arith.constant 1 : i32
      %dma_start3A_363 = arith.constant 0 : i32
      %dma_start3A_364 = arith.constant 0 : i32
      %dma_start3A_365 = tpu.memref_slice %arg9[%rem3A_199, %dma_start3A_362, %dma_start3A_363, %dma_start3A_364] : memref<2x5x128x64xbf16, #tpu.memory_space<vmem>> -> memref<1x1x128x64xbf16, #tpu.memory_space<vmem>>
      %dma_start3A_366 = tpu.memref_squeeze %dma_start3A_365 : memref<1x1x128x64xbf16, #tpu.memory_space<vmem>> -> memref<128x64xbf16, #tpu.memory_space<vmem>>
      %dma_start3A_367 = arith.constant 0 : i32
      %dma_start3A_368 = tpu.memref_slice %arg8[%add3A_361, %dma_start3A_367] : memref<160x128xi32, #tpu.memory_space<vmem>> -> memref<1x128xi32, #tpu.memory_space<vmem>>
      %dma_start3A_369 = tpu.memref_squeeze %dma_start3A_368 : memref<1x128xi32, #tpu.memory_space<vmem>> -> memref<128xi32, #tpu.memory_space<vmem>>
      %dma_start3A_370 = arith.constant 0 : i32
      %dma_start3A_371 = arith.constant 0 : i32
      %dma_start3A_372 = tpu.memref_slice %arg10[%dma_start3A_370, %dma_start3A_371] : memref<10112x64xbf16, #tpu.memory_space<vmem_shared>> -> memref<10112x64xbf16, #tpu.memory_space<vmem_shared>>
      tpu.enqueue_indirect_dma source(%dma_start3A_366 : memref<128x64xbf16, #tpu.memory_space<vmem>>) target(%dma_start3A_372 : memref<10112x64xbf16, #tpu.memory_space<vmem_shared>>) offsets(%dma_start3A_369 : memref<128xi32, #tpu.memory_space<vmem>>) semaphore(%arg12 : memref<!tpu.dma_semaphore, #tpu.memory_space<semaphore_mem>>) {add = true}
      %add3A_373 = arith.constant 2 : i32
      %add3A_374 = arith.addi %mul3A_202, %add3A_373 : i32
      %dma_start3A_375 = arith.constant 2 : i32
      %dma_start3A_376 = arith.constant 0 : i32
      %dma_start3A_377 = arith.constant 0 : i32
      %dma_start3A_378 = tpu.memref_slice %arg9[%rem3A_199, %dma_start3A_375, %dma_start3A_376, %dma_start3A_377] : memref<2x5x128x64xbf16, #tpu.memory_space<vmem>> -> memref<1x1x128x64xbf16, #tpu.memory_space<vmem>>
      %dma_start3A_379 = tpu.memref_squeeze %dma_start3A_378 : memref<1x1x128x64xbf16, #tpu.memory_space<vmem>> -> memref<128x64xbf16, #tpu.memory_space<vmem>>
      %dma_start3A_380 = arith.constant 0 : i32
      %dma_start3A_381 = tpu.memref_slice %arg8[%add3A_374, %dma_start3A_380] : memref<160x128xi32, #tpu.memory_space<vmem>> -> memref<1x128xi32, #tpu.memory_space<vmem>>
      %dma_start3A_382 = tpu.memref_squeeze %dma_start3A_381 : memref<1x128xi32, #tpu.memory_space<vmem>> -> memref<128xi32, #tpu.memory_space<vmem>>
      %dma_start3A_383 = arith.constant 0 : i32
      %dma_start3A_384 = arith.constant 0 : i32
      %dma_start3A_385 = tpu.memref_slice %arg10[%dma_start3A_383, %dma_start3A_384] : memref<10112x64xbf16, #tpu.memory_space<vmem_shared>> -> memref<10112x64xbf16, #tpu.memory_space<vmem_shared>>
      tpu.enqueue_indirect_dma source(%dma_start3A_379 : memref<128x64xbf16, #tpu.memory_space<vmem>>) target(%dma_start3A_385 : memref<10112x64xbf16, #tpu.memory_space<vmem_shared>>) offsets(%dma_start3A_382 : memref<128xi32, #tpu.memory_space<vmem>>) semaphore(%arg12 : memref<!tpu.dma_semaphore, #tpu.memory_space<semaphore_mem>>) {add = true}
      %add3A_386 = arith.constant 3 : i32
      %add3A_387 = arith.addi %mul3A_202, %add3A_386 : i32
      %dma_start3A_388 = arith.constant 3 : i32
      %dma_start3A_389 = arith.constant 0 : i32
      %dma_start3A_390 = arith.constant 0 : i32
      %dma_start3A_391 = tpu.memref_slice %arg9[%rem3A_199, %dma_start3A_388, %dma_start3A_389, %dma_start3A_390] : memref<2x5x128x64xbf16, #tpu.memory_space<vmem>> -> memref<1x1x128x64xbf16, #tpu.memory_space<vmem>>
      %dma_start3A_392 = tpu.memref_squeeze %dma_start3A_391 : memref<1x1x128x64xbf16, #tpu.memory_space<vmem>> -> memref<128x64xbf16, #tpu.memory_space<vmem>>
      %dma_start3A_393 = arith.constant 0 : i32
      %dma_start3A_394 = tpu.memref_slice %arg8[%add3A_387, %dma_start3A_393] : memref<160x128xi32, #tpu.memory_space<vmem>> -> memref<1x128xi32, #tpu.memory_space<vmem>>
      %dma_start3A_395 = tpu.memref_squeeze %dma_start3A_394 : memref<1x128xi32, #tpu.memory_space<vmem>> -> memref<128xi32, #tpu.memory_space<vmem>>
      %dma_start3A_396 = arith.constant 0 : i32
      %dma_start3A_397 = arith.constant 0 : i32
      %dma_start3A_398 = tpu.memref_slice %arg10[%dma_start3A_396, %dma_start3A_397] : memref<10112x64xbf16, #tpu.memory_space<vmem_shared>> -> memref<10112x64xbf16, #tpu.memory_space<vmem_shared>>
      tpu.enqueue_indirect_dma source(%dma_start3A_392 : memref<128x64xbf16, #tpu.memory_space<vmem>>) target(%dma_start3A_398 : memref<10112x64xbf16, #tpu.memory_space<vmem_shared>>) offsets(%dma_start3A_395 : memref<128xi32, #tpu.memory_space<vmem>>) semaphore(%arg12 : memref<!tpu.dma_semaphore, #tpu.memory_space<semaphore_mem>>) {add = true}
      %add3A_399 = arith.constant 4 : i32
      %add3A_400 = arith.addi %mul3A_202, %add3A_399 : i32
      %dma_start3A_401 = arith.constant 4 : i32
      %dma_start3A_402 = arith.constant 0 : i32
      %dma_start3A_403 = arith.constant 0 : i32
      %dma_start3A_404 = tpu.memref_slice %arg9[%rem3A_199, %dma_start3A_401, %dma_start3A_402, %dma_start3A_403] : memref<2x5x128x64xbf16, #tpu.memory_space<vmem>> -> memref<1x1x128x64xbf16, #tpu.memory_space<vmem>>
      %dma_start3A_405 = tpu.memref_squeeze %dma_start3A_404 : memref<1x1x128x64xbf16, #tpu.memory_space<vmem>> -> memref<128x64xbf16, #tpu.memory_space<vmem>>
      %dma_start3A_406 = arith.constant 0 : i32
      %dma_start3A_407 = tpu.memref_slice %arg8[%add3A_400, %dma_start3A_406] : memref<160x128xi32, #tpu.memory_space<vmem>> -> memref<1x128xi32, #tpu.memory_space<vmem>>
      %dma_start3A_408 = tpu.memref_squeeze %dma_start3A_407 : memref<1x128xi32, #tpu.memory_space<vmem>> -> memref<128xi32, #tpu.memory_space<vmem>>
      %dma_start3A_409 = arith.constant 0 : i32
      %dma_start3A_410 = arith.constant 0 : i32
      %dma_start3A_411 = tpu.memref_slice %arg10[%dma_start3A_409, %dma_start3A_410] : memref<10112x64xbf16, #tpu.memory_space<vmem_shared>> -> memref<10112x64xbf16, #tpu.memory_space<vmem_shared>>
      tpu.enqueue_indirect_dma source(%dma_start3A_405 : memref<128x64xbf16, #tpu.memory_space<vmem>>) target(%dma_start3A_411 : memref<10112x64xbf16, #tpu.memory_space<vmem_shared>>) offsets(%dma_start3A_408 : memref<128xi32, #tpu.memory_space<vmem>>) semaphore(%arg12 : memref<!tpu.dma_semaphore, #tpu.memory_space<semaphore_mem>>) {add = true}
    }
    %scan3A_83 = arith.constant 32 : i32
    %dma_wait3A = arith.constant 0 : i32
    %dma_wait3A_84 = arith.constant 0 : i32
    %dma_wait3A_85 = tpu.memref_slice %arg10[%dma_wait3A, %dma_wait3A_84] : memref<10112x64xbf16, #tpu.memory_space<vmem_shared>> -> memref<128x64xbf16, #tpu.memory_space<vmem_shared>>
    %dma_wait3A_86 = arith.constant 0 : i32
    %dma_wait3A_87 = arith.constant 0 : i32
    %dma_wait3A_88 = tpu.memref_slice %arg2[%dma_wait3A_86, %dma_wait3A_87] : memref<20000x64xbf16, #tpu.memory_space<hbm>> -> memref<128x64xbf16, #tpu.memory_space<hbm>>
    tpu.wait_dma2 semaphore(%arg12 : memref<!tpu.dma_semaphore, #tpu.memory_space<semaphore_mem>>) src(%dma_wait3A_88 : memref<128x64xbf16, #tpu.memory_space<hbm>>) dst(%dma_wait3A_85 : memref<128x64xbf16, #tpu.memory_space<vmem_shared>>)
    %dma_wait3A_89 = arith.constant 0 : i32
    %dma_wait3A_90 = arith.constant 0 : i32
    %dma_wait3A_91 = arith.constant 0 : i32
    %dma_wait3A_92 = arith.constant 0 : i32
    %dma_wait3A_93 = tpu.memref_slice %arg9[%dma_wait3A_89, %dma_wait3A_90, %dma_wait3A_91, %dma_wait3A_92] : memref<2x5x128x64xbf16, #tpu.memory_space<vmem>> -> memref<1x1x128x64xbf16, #tpu.memory_space<vmem>>
    %dma_wait3A_94 = tpu.memref_squeeze %dma_wait3A_93 : memref<1x1x128x64xbf16, #tpu.memory_space<vmem>> -> memref<128x64xbf16, #tpu.memory_space<vmem>>
    %dma_wait3A_95 = arith.constant 0 : i32
    %dma_wait3A_96 = arith.constant 0 : i32
    %dma_wait3A_97 = tpu.memref_slice %arg2[%dma_wait3A_95, %dma_wait3A_96] : memref<20000x64xbf16, #tpu.memory_space<hbm>> -> memref<128x64xbf16, #tpu.memory_space<hbm>>
    %dma_wait3A_98 = arith.constant 0 : i32
    %dma_wait3A_99 = arith.constant 0 : i32
    %dma_wait3A_100 = tpu.memref_slice %arg9[%dma_wait3A_89, %dma_wait3A_90, %dma_wait3A_98, %dma_wait3A_99] : memref<2x5x128x64xbf16, #tpu.memory_space<vmem>> -> memref<1x1x128x64xbf16, #tpu.memory_space<vmem>>
    %dma_wait3A_101 = tpu.memref_squeeze %dma_wait3A_100 : memref<1x1x128x64xbf16, #tpu.memory_space<vmem>> -> memref<128x64xbf16, #tpu.memory_space<vmem>>
    %dma_wait3A_102 = arith.constant 0 : i32
    %dma_wait3A_103 = arith.constant 0 : i32
    %dma_wait3A_104 = tpu.memref_slice %arg2[%dma_wait3A_102, %dma_wait3A_103] : memref<20000x64xbf16, #tpu.memory_space<hbm>> -> memref<128x64xbf16, #tpu.memory_space<hbm>>
    tpu.wait_dma2 semaphore(%arg11 : memref<!tpu.dma_semaphore, #tpu.memory_space<semaphore_mem>>) src(%dma_wait3A_104 : memref<128x64xbf16, #tpu.memory_space<hbm>>) dst(%dma_wait3A_101 : memref<128x64xbf16, #tpu.memory_space<vmem>>)
    %dma_wait3A_105 = arith.constant 0 : i32
    %dma_wait3A_106 = arith.constant 0 : i32
    %dma_wait3A_107 = tpu.memref_slice %arg10[%dma_wait3A_105, %dma_wait3A_106] : memref<10112x64xbf16, #tpu.memory_space<vmem_shared>> -> memref<128x64xbf16, #tpu.memory_space<vmem_shared>>
    %dma_wait3A_108 = arith.constant 0 : i32
    %dma_wait3A_109 = arith.constant 0 : i32
    %dma_wait3A_110 = tpu.memref_slice %arg2[%dma_wait3A_108, %dma_wait3A_109] : memref<20000x64xbf16, #tpu.memory_space<hbm>> -> memref<128x64xbf16, #tpu.memory_space<hbm>>
    tpu.wait_dma2 semaphore(%arg12 : memref<!tpu.dma_semaphore, #tpu.memory_space<semaphore_mem>>) src(%dma_wait3A_110 : memref<128x64xbf16, #tpu.memory_space<hbm>>) dst(%dma_wait3A_107 : memref<128x64xbf16, #tpu.memory_space<vmem_shared>>)
    %dma_wait3A_111 = arith.constant 0 : i32
    %dma_wait3A_112 = arith.constant 1 : i32
    %dma_wait3A_113 = arith.constant 0 : i32
    %dma_wait3A_114 = arith.constant 0 : i32
    %dma_wait3A_115 = tpu.memref_slice %arg9[%dma_wait3A_111, %dma_wait3A_112, %dma_wait3A_113, %dma_wait3A_114] : memref<2x5x128x64xbf16, #tpu.memory_space<vmem>> -> memref<1x1x128x64xbf16, #tpu.memory_space<vmem>>
    %dma_wait3A_116 = tpu.memref_squeeze %dma_wait3A_115 : memref<1x1x128x64xbf16, #tpu.memory_space<vmem>> -> memref<128x64xbf16, #tpu.memory_space<vmem>>
    %dma_wait3A_117 = arith.constant 0 : i32
    %dma_wait3A_118 = arith.constant 0 : i32
    %dma_wait3A_119 = tpu.memref_slice %arg2[%dma_wait3A_117, %dma_wait3A_118] : memref<20000x64xbf16, #tpu.memory_space<hbm>> -> memref<128x64xbf16, #tpu.memory_space<hbm>>
    %dma_wait3A_120 = arith.constant 0 : i32
    %dma_wait3A_121 = arith.constant 0 : i32
    %dma_wait3A_122 = tpu.memref_slice %arg9[%dma_wait3A_111, %dma_wait3A_112, %dma_wait3A_120, %dma_wait3A_121] : memref<2x5x128x64xbf16, #tpu.memory_space<vmem>> -> memref<1x1x128x64xbf16, #tpu.memory_space<vmem>>
    %dma_wait3A_123 = tpu.memref_squeeze %dma_wait3A_122 : memref<1x1x128x64xbf16, #tpu.memory_space<vmem>> -> memref<128x64xbf16, #tpu.memory_space<vmem>>
    %dma_wait3A_124 = arith.constant 0 : i32
    %dma_wait3A_125 = arith.constant 0 : i32
    %dma_wait3A_126 = tpu.memref_slice %arg2[%dma_wait3A_124, %dma_wait3A_125] : memref<20000x64xbf16, #tpu.memory_space<hbm>> -> memref<128x64xbf16, #tpu.memory_space<hbm>>
    tpu.wait_dma2 semaphore(%arg11 : memref<!tpu.dma_semaphore, #tpu.memory_space<semaphore_mem>>) src(%dma_wait3A_126 : memref<128x64xbf16, #tpu.memory_space<hbm>>) dst(%dma_wait3A_123 : memref<128x64xbf16, #tpu.memory_space<vmem>>)
    %dma_wait3A_127 = arith.constant 0 : i32
    %dma_wait3A_128 = arith.constant 0 : i32
    %dma_wait3A_129 = tpu.memref_slice %arg10[%dma_wait3A_127, %dma_wait3A_128] : memref<10112x64xbf16, #tpu.memory_space<vmem_shared>> -> memref<128x64xbf16, #tpu.memory_space<vmem_shared>>
    %dma_wait3A_130 = arith.constant 0 : i32
    %dma_wait3A_131 = arith.constant 0 : i32
    %dma_wait3A_132 = tpu.memref_slice %arg2[%dma_wait3A_130, %dma_wait3A_131] : memref<20000x64xbf16, #tpu.memory_space<hbm>> -> memref<128x64xbf16, #tpu.memory_space<hbm>>
    tpu.wait_dma2 semaphore(%arg12 : memref<!tpu.dma_semaphore, #tpu.memory_space<semaphore_mem>>) src(%dma_wait3A_132 : memref<128x64xbf16, #tpu.memory_space<hbm>>) dst(%dma_wait3A_129 : memref<128x64xbf16, #tpu.memory_space<vmem_shared>>)
    %dma_wait3A_133 = arith.constant 0 : i32
    %dma_wait3A_134 = arith.constant 2 : i32
    %dma_wait3A_135 = arith.constant 0 : i32
    %dma_wait3A_136 = arith.constant 0 : i32
    %dma_wait3A_137 = tpu.memref_slice %arg9[%dma_wait3A_133, %dma_wait3A_134, %dma_wait3A_135, %dma_wait3A_136] : memref<2x5x128x64xbf16, #tpu.memory_space<vmem>> -> memref<1x1x128x64xbf16, #tpu.memory_space<vmem>>
    %dma_wait3A_138 = tpu.memref_squeeze %dma_wait3A_137 : memref<1x1x128x64xbf16, #tpu.memory_space<vmem>> -> memref<128x64xbf16, #tpu.memory_space<vmem>>
    %dma_wait3A_139 = arith.constant 0 : i32
    %dma_wait3A_140 = arith.constant 0 : i32
    %dma_wait3A_141 = tpu.memref_slice %arg2[%dma_wait3A_139, %dma_wait3A_140] : memref<20000x64xbf16, #tpu.memory_space<hbm>> -> memref<128x64xbf16, #tpu.memory_space<hbm>>
    %dma_wait3A_142 = arith.constant 0 : i32
    %dma_wait3A_143 = arith.constant 0 : i32
    %dma_wait3A_144 = tpu.memref_slice %arg9[%dma_wait3A_133, %dma_wait3A_134, %dma_wait3A_142, %dma_wait3A_143] : memref<2x5x128x64xbf16, #tpu.memory_space<vmem>> -> memref<1x1x128x64xbf16, #tpu.memory_space<vmem>>
    %dma_wait3A_145 = tpu.memref_squeeze %dma_wait3A_144 : memref<1x1x128x64xbf16, #tpu.memory_space<vmem>> -> memref<128x64xbf16, #tpu.memory_space<vmem>>
    %dma_wait3A_146 = arith.constant 0 : i32
    %dma_wait3A_147 = arith.constant 0 : i32
    %dma_wait3A_148 = tpu.memref_slice %arg2[%dma_wait3A_146, %dma_wait3A_147] : memref<20000x64xbf16, #tpu.memory_space<hbm>> -> memref<128x64xbf16, #tpu.memory_space<hbm>>
    tpu.wait_dma2 semaphore(%arg11 : memref<!tpu.dma_semaphore, #tpu.memory_space<semaphore_mem>>) src(%dma_wait3A_148 : memref<128x64xbf16, #tpu.memory_space<hbm>>) dst(%dma_wait3A_145 : memref<128x64xbf16, #tpu.memory_space<vmem>>)
    %dma_wait3A_149 = arith.constant 0 : i32
    %dma_wait3A_150 = arith.constant 0 : i32
    %dma_wait3A_151 = tpu.memref_slice %arg10[%dma_wait3A_149, %dma_wait3A_150] : memref<10112x64xbf16, #tpu.memory_space<vmem_shared>> -> memref<128x64xbf16, #tpu.memory_space<vmem_shared>>
    %dma_wait3A_152 = arith.constant 0 : i32
    %dma_wait3A_153 = arith.constant 0 : i32
    %dma_wait3A_154 = tpu.memref_slice %arg2[%dma_wait3A_152, %dma_wait3A_153] : memref<20000x64xbf16, #tpu.memory_space<hbm>> -> memref<128x64xbf16, #tpu.memory_space<hbm>>
    tpu.wait_dma2 semaphore(%arg12 : memref<!tpu.dma_semaphore, #tpu.memory_space<semaphore_mem>>) src(%dma_wait3A_154 : memref<128x64xbf16, #tpu.memory_space<hbm>>) dst(%dma_wait3A_151 : memref<128x64xbf16, #tpu.memory_space<vmem_shared>>)
    %dma_wait3A_155 = arith.constant 0 : i32
    %dma_wait3A_156 = arith.constant 3 : i32
    %dma_wait3A_157 = arith.constant 0 : i32
    %dma_wait3A_158 = arith.constant 0 : i32
    %dma_wait3A_159 = tpu.memref_slice %arg9[%dma_wait3A_155, %dma_wait3A_156, %dma_wait3A_157, %dma_wait3A_158] : memref<2x5x128x64xbf16, #tpu.memory_space<vmem>> -> memref<1x1x128x64xbf16, #tpu.memory_space<vmem>>
    %dma_wait3A_160 = tpu.memref_squeeze %dma_wait3A_159 : memref<1x1x128x64xbf16, #tpu.memory_space<vmem>> -> memref<128x64xbf16, #tpu.memory_space<vmem>>
    %dma_wait3A_161 = arith.constant 0 : i32
    %dma_wait3A_162 = arith.constant 0 : i32
    %dma_wait3A_163 = tpu.memref_slice %arg2[%dma_wait3A_161, %dma_wait3A_162] : memref<20000x64xbf16, #tpu.memory_space<hbm>> -> memref<128x64xbf16, #tpu.memory_space<hbm>>
    %dma_wait3A_164 = arith.constant 0 : i32
    %dma_wait3A_165 = arith.constant 0 : i32
    %dma_wait3A_166 = tpu.memref_slice %arg9[%dma_wait3A_155, %dma_wait3A_156, %dma_wait3A_164, %dma_wait3A_165] : memref<2x5x128x64xbf16, #tpu.memory_space<vmem>> -> memref<1x1x128x64xbf16, #tpu.memory_space<vmem>>
    %dma_wait3A_167 = tpu.memref_squeeze %dma_wait3A_166 : memref<1x1x128x64xbf16, #tpu.memory_space<vmem>> -> memref<128x64xbf16, #tpu.memory_space<vmem>>
    %dma_wait3A_168 = arith.constant 0 : i32
    %dma_wait3A_169 = arith.constant 0 : i32
    %dma_wait3A_170 = tpu.memref_slice %arg2[%dma_wait3A_168, %dma_wait3A_169] : memref<20000x64xbf16, #tpu.memory_space<hbm>> -> memref<128x64xbf16, #tpu.memory_space<hbm>>
    tpu.wait_dma2 semaphore(%arg11 : memref<!tpu.dma_semaphore, #tpu.memory_space<semaphore_mem>>) src(%dma_wait3A_170 : memref<128x64xbf16, #tpu.memory_space<hbm>>) dst(%dma_wait3A_167 : memref<128x64xbf16, #tpu.memory_space<vmem>>)
    %dma_wait3A_171 = arith.constant 0 : i32
    %dma_wait3A_172 = arith.constant 0 : i32
    %dma_wait3A_173 = tpu.memref_slice %arg10[%dma_wait3A_171, %dma_wait3A_172] : memref<10112x64xbf16, #tpu.memory_space<vmem_shared>> -> memref<128x64xbf16, #tpu.memory_space<vmem_shared>>
    %dma_wait3A_174 = arith.constant 0 : i32
    %dma_wait3A_175 = arith.constant 0 : i32
    %dma_wait3A_176 = tpu.memref_slice %arg2[%dma_wait3A_174, %dma_wait3A_175] : memref<20000x64xbf16, #tpu.memory_space<hbm>> -> memref<128x64xbf16, #tpu.memory_space<hbm>>
    tpu.wait_dma2 semaphore(%arg12 : memref<!tpu.dma_semaphore, #tpu.memory_space<semaphore_mem>>) src(%dma_wait3A_176 : memref<128x64xbf16, #tpu.memory_space<hbm>>) dst(%dma_wait3A_173 : memref<128x64xbf16, #tpu.memory_space<vmem_shared>>)
    %dma_wait3A_177 = arith.constant 0 : i32
    %dma_wait3A_178 = arith.constant 4 : i32
    %dma_wait3A_179 = arith.constant 0 : i32
    %dma_wait3A_180 = arith.constant 0 : i32
    %dma_wait3A_181 = tpu.memref_slice %arg9[%dma_wait3A_177, %dma_wait3A_178, %dma_wait3A_179, %dma_wait3A_180] : memref<2x5x128x64xbf16, #tpu.memory_space<vmem>> -> memref<1x1x128x64xbf16, #tpu.memory_space<vmem>>
    %dma_wait3A_182 = tpu.memref_squeeze %dma_wait3A_181 : memref<1x1x128x64xbf16, #tpu.memory_space<vmem>> -> memref<128x64xbf16, #tpu.memory_space<vmem>>
    %dma_wait3A_183 = arith.constant 0 : i32
    %dma_wait3A_184 = arith.constant 0 : i32
    %dma_wait3A_185 = tpu.memref_slice %arg2[%dma_wait3A_183, %dma_wait3A_184] : memref<20000x64xbf16, #tpu.memory_space<hbm>> -> memref<128x64xbf16, #tpu.memory_space<hbm>>
    %dma_wait3A_186 = arith.constant 0 : i32
    %dma_wait3A_187 = arith.constant 0 : i32
    %dma_wait3A_188 = tpu.memref_slice %arg9[%dma_wait3A_177, %dma_wait3A_178, %dma_wait3A_186, %dma_wait3A_187] : memref<2x5x128x64xbf16, #tpu.memory_space<vmem>> -> memref<1x1x128x64xbf16, #tpu.memory_space<vmem>>
    %dma_wait3A_189 = tpu.memref_squeeze %dma_wait3A_188 : memref<1x1x128x64xbf16, #tpu.memory_space<vmem>> -> memref<128x64xbf16, #tpu.memory_space<vmem>>
    %dma_wait3A_190 = arith.constant 0 : i32
    %dma_wait3A_191 = arith.constant 0 : i32
    %dma_wait3A_192 = tpu.memref_slice %arg2[%dma_wait3A_190, %dma_wait3A_191] : memref<20000x64xbf16, #tpu.memory_space<hbm>> -> memref<128x64xbf16, #tpu.memory_space<hbm>>
    tpu.wait_dma2 semaphore(%arg11 : memref<!tpu.dma_semaphore, #tpu.memory_space<semaphore_mem>>) src(%dma_wait3A_192 : memref<128x64xbf16, #tpu.memory_space<hbm>>) dst(%dma_wait3A_189 : memref<128x64xbf16, #tpu.memory_space<vmem>>)
    %barrier3A_193 = arith.constant 0 : index
    tpu.barrier barrier_id(%barrier3A_193)
    %mul3A_194 = arith.constant 632 : i32
    %mul3A_195 = arith.muli %arg1, %mul3A_194 : i32
    %mul3A_196 = arith.constant 632 : i32
    %mul3A_197 = arith.muli %arg1, %mul3A_196 : i32
    "tpu.region"() ({
      %run_scoped3A = tpu.sem_alloc : memref<!tpu.dma_semaphore, #tpu.memory_space<semaphore_mem>>
      %dma_start3A_198 = arith.constant 0 : i32
      %dma_start3A_199 = tpu.memref_slice %arg6[%arg0, %mul3A_197, %dma_start3A_198] : memref<2x10112x64xbf16, #tpu.memory_space<hbm>> -> memref<1x632x64xbf16, #tpu.memory_space<hbm>>
      %dma_start3A_200 = tpu.memref_squeeze %dma_start3A_199 : memref<1x632x64xbf16, #tpu.memory_space<hbm>> -> memref<632x64xbf16, #tpu.memory_space<hbm>>
      %dma_start3A_201 = arith.constant 0 : i32
      %dma_start3A_202 = tpu.memref_slice %arg10[%mul3A_195, %dma_start3A_201] : memref<10112x64xbf16, #tpu.memory_space<vmem_shared>> -> memref<632x64xbf16, #tpu.memory_space<vmem_shared>>
      tpu.enqueue_dma source(%dma_start3A_202 : memref<632x64xbf16, #tpu.memory_space<vmem_shared>>) target(%dma_start3A_200 : memref<632x64xbf16, #tpu.memory_space<hbm>>) target_semaphore(%run_scoped3A : memref<!tpu.dma_semaphore, #tpu.memory_space<semaphore_mem>>)
      %dma_wait3A_203 = arith.constant 0 : i32
      %dma_wait3A_204 = tpu.memref_slice %arg6[%arg0, %mul3A_197, %dma_wait3A_203] : memref<2x10112x64xbf16, #tpu.memory_space<hbm>> -> memref<1x632x64xbf16, #tpu.memory_space<hbm>>
      %dma_wait3A_205 = tpu.memref_squeeze %dma_wait3A_204 : memref<1x632x64xbf16, #tpu.memory_space<hbm>> -> memref<632x64xbf16, #tpu.memory_space<hbm>>
      %dma_wait3A_206 = arith.constant 0 : i32
      %dma_wait3A_207 = tpu.memref_slice %arg10[%mul3A_195, %dma_wait3A_206] : memref<10112x64xbf16, #tpu.memory_space<vmem_shared>> -> memref<632x64xbf16, #tpu.memory_space<vmem_shared>>
      tpu.wait_dma2 semaphore(%run_scoped3A : memref<!tpu.dma_semaphore, #tpu.memory_space<semaphore_mem>>) src(%dma_wait3A_207 : memref<632x64xbf16, #tpu.memory_space<vmem_shared>>) dst(%dma_wait3A_205 : memref<632x64xbf16, #tpu.memory_space<hbm>>)
      tpu.yield
    }) : () -> ()
    return
  }
}

module attributes {stable_mosaic.version = 14 : i64} {
  func.func @_mlp_in_body(%arg0: i32, %arg1: memref<1000x128xf32, #tpu.memory_space<vmem>>, %arg2: memref<128x128xf32, #tpu.memory_space<vmem>>, %arg3: memref<1x128xf32, #tpu.memory_space<vmem>>, %arg4: memref<128x128xf32, #tpu.memory_space<vmem>>, %arg5: memref<1x128xf32, #tpu.memory_space<vmem>>, %arg6: memref<128x128xf32, #tpu.memory_space<vmem>>, %arg7: memref<1x128xf32, #tpu.memory_space<vmem>>, %arg8: memref<1000x128xf32, #tpu.memory_space<vmem>>, %arg9: memref<2x1000x64xbf16, #tpu.memory_space<vmem>>) attributes {dimension_semantics = [#tpu.dimension_semantics<arbitrary>], iteration_bounds = array<i64: 10>, scalar_prefetch = 0 : i64, scratch_operands = 0 : i64, tpu.core_type = #tpu.core_type<tc>, window_params = [{transform_indices = @transform_0, window_bounds = array<i64: 1000, 128>}, {pipeline_mode = #tpu.pipeline_mode<synchronous>, transform_indices = @transform_1, window_bounds = array<i64: 128, 128>}, {pipeline_mode = #tpu.pipeline_mode<synchronous>, transform_indices = @transform_2, window_bounds = array<i64: 1, 128>}, {pipeline_mode = #tpu.pipeline_mode<synchronous>, transform_indices = @transform_3, window_bounds = array<i64: 128, 128>}, {pipeline_mode = #tpu.pipeline_mode<synchronous>, transform_indices = @transform_4, window_bounds = array<i64: 1, 128>}, {pipeline_mode = #tpu.pipeline_mode<synchronous>, transform_indices = @transform_5, window_bounds = array<i64: 128, 128>}, {pipeline_mode = #tpu.pipeline_mode<synchronous>, transform_indices = @transform_6, window_bounds = array<i64: 1, 128>}, {transform_indices = @transform_7, window_bounds = array<i64: 1000, 128>}, {transform_indices = @transform_8, window_bounds = array<i64: 2, 1000, 64>}]} {
    %get3A = arith.constant 0 : index
    %get3A_0 = arith.constant 0 : index
    %get3A_1 = vector.load %arg1[%get3A, %get3A_0] : memref<1000x128xf32, #tpu.memory_space<vmem>>, vector<1000x128xf32>
    %get3A_2 = arith.constant 0 : index
    %get3A_3 = arith.constant 0 : index
    %get3A_4 = vector.load %arg2[%get3A_2, %get3A_3] : memref<128x128xf32, #tpu.memory_space<vmem>>, vector<128x128xf32>
    %dot_general3A = arith.constant dense<0.000000e+00> : vector<1000x128xf32>
    %dot_general3A_5 = tpu.matmul %get3A_1, %get3A_4, %dot_general3A {dimension_numbers = #tpu.dot_dimension_numbers<[1], [0], [0], [1], [0, 0, 1, 1], [], []>, transpose_lhs_hint = false} : vector<1000x128xf32>, vector<128x128xf32>, vector<1000x128xf32> -> vector<1000x128xf32>
    %get3A_6 = arith.constant 0 : index
    %get3A_7 = arith.constant 0 : index
    %get3A_8 = vector.load %arg3[%get3A_6, %get3A_7] : memref<1x128xf32, #tpu.memory_space<vmem>>, vector<1x128xf32>
    %add3A = vector.broadcast %get3A_8 : vector<1x128xf32> to vector<1000x128xf32>
    %add3A_9 = arith.addf %dot_general3A_5, %add3A : vector<1000x128xf32>
    %max3A = arith.constant 0.000000e+00 : f32
    %max3A_10 = vector.broadcast %max3A : f32 to vector<1000x128xf32>
    %max3A_11 = arith.maximumf %add3A_9, %max3A_10 : vector<1000x128xf32>
    %swap3A = arith.constant 0 : index
    %swap3A_12 = arith.constant 0 : index
    %swap3A_13 = vector.load %arg8[%swap3A, %swap3A_12] : memref<1000x128xf32, #tpu.memory_space<vmem>>, vector<1000x128xf32>
    tpu.vector_store %arg8[%swap3A, %swap3A_12], %max3A_11 {strides = array<i32>} : memref<1000x128xf32, #tpu.memory_space<vmem>>, vector<1000x128xf32>,
    %get3A_14 = arith.constant 0 : index
    %get3A_15 = arith.constant 0 : index
    %get3A_16 = vector.load %arg4[%get3A_14, %get3A_15] : memref<128x128xf32, #tpu.memory_space<vmem>>, vector<128x128xf32>
    %dot_general3A_17 = arith.constant dense<0.000000e+00> : vector<1000x128xf32>
    %dot_general3A_18 = tpu.matmul %max3A_11, %get3A_16, %dot_general3A_17 {dimension_numbers = #tpu.dot_dimension_numbers<[1], [0], [0], [1], [0, 0, 1, 1], [], []>, transpose_lhs_hint = false} : vector<1000x128xf32>, vector<128x128xf32>, vector<1000x128xf32> -> vector<1000x128xf32>
    %get3A_19 = arith.constant 0 : index
    %get3A_20 = arith.constant 0 : index
    %get3A_21 = vector.load %arg5[%get3A_19, %get3A_20] : memref<1x128xf32, #tpu.memory_space<vmem>>, vector<1x128xf32>
    %add3A_22 = vector.broadcast %get3A_21 : vector<1x128xf32> to vector<1000x128xf32>
    %add3A_23 = arith.addf %dot_general3A_18, %add3A_22 : vector<1000x128xf32>
    %max3A_24 = arith.constant 0.000000e+00 : f32
    %max3A_25 = vector.broadcast %max3A_24 : f32 to vector<1000x128xf32>
    %max3A_26 = arith.maximumf %add3A_23, %max3A_25 : vector<1000x128xf32>
    %get3A_27 = arith.constant 0 : index
    %get3A_28 = arith.constant 0 : index
    %get3A_29 = vector.load %arg6[%get3A_27, %get3A_28] : memref<128x128xf32, #tpu.memory_space<vmem>>, vector<128x128xf32>
    %dot_general3A_30 = arith.constant dense<0.000000e+00> : vector<1000x128xf32>
    %dot_general3A_31 = tpu.matmul %max3A_26, %get3A_29, %dot_general3A_30 {dimension_numbers = #tpu.dot_dimension_numbers<[1], [0], [0], [1], [0, 0, 1, 1], [], []>, transpose_lhs_hint = false} : vector<1000x128xf32>, vector<128x128xf32>, vector<1000x128xf32> -> vector<1000x128xf32>
    %get3A_32 = arith.constant 0 : index
    %get3A_33 = arith.constant 0 : index
    %get3A_34 = vector.load %arg7[%get3A_32, %get3A_33] : memref<1x128xf32, #tpu.memory_space<vmem>>, vector<1x128xf32>
    %add3A_35 = vector.broadcast %get3A_34 : vector<1x128xf32> to vector<1000x128xf32>
    %add3A_36 = arith.addf %dot_general3A_31, %add3A_35 : vector<1000x128xf32>
    %max3A_37 = arith.constant 0.000000e+00 : f32
    %max3A_38 = vector.broadcast %max3A_37 : f32 to vector<1000x128xf32>
    %max3A_39 = arith.maximumf %add3A_36, %max3A_38 : vector<1000x128xf32>
    %slice3A = vector.extract_strided_slice %max3A_39 {offsets = [0, 0], sizes = [1000, 64], strides = [1, 1]} : vector<1000x128xf32> to vector<1000x64xf32>
    %convert_element_type3A = arith.truncf %slice3A : vector<1000x64xf32> to vector<1000x64xbf16>
    %swap3A_40 = arith.constant 0 : index
    %swap3A_41 = arith.constant 0 : index
    %swap3A_42 = arith.constant 0 : index
    %swap3A_43 = vector.load %arg9[%swap3A_40, %swap3A_41, %swap3A_42] : memref<2x1000x64xbf16, #tpu.memory_space<vmem>>, vector<1x1000x64xbf16>
    %swap3A_44 = vector.shape_cast %swap3A_43 : vector<1x1000x64xbf16> to vector<1000x64xbf16>
    %swap3A_45 = vector.shape_cast %convert_element_type3A : vector<1000x64xbf16> to vector<1x1000x64xbf16>
    tpu.vector_store %arg9[%swap3A_40, %swap3A_41, %swap3A_42], %swap3A_45 {strides = array<i32>} : memref<2x1000x64xbf16, #tpu.memory_space<vmem>>, vector<1x1000x64xbf16>,
    %slice3A_46 = vector.extract_strided_slice %max3A_39 {offsets = [0, 64], sizes = [1000, 64], strides = [1, 1]} : vector<1000x128xf32> to vector<1000x64xf32>
    %convert_element_type3A_47 = arith.truncf %slice3A_46 : vector<1000x64xf32> to vector<1000x64xbf16>
    %swap3A_48 = arith.constant 1 : index
    %swap3A_49 = arith.constant 0 : index
    %swap3A_50 = arith.constant 0 : index
    %swap3A_51 = vector.load %arg9[%swap3A_48, %swap3A_49, %swap3A_50] : memref<2x1000x64xbf16, #tpu.memory_space<vmem>>, vector<1x1000x64xbf16>
    %swap3A_52 = vector.shape_cast %swap3A_51 : vector<1x1000x64xbf16> to vector<1000x64xbf16>
    %swap3A_53 = vector.shape_cast %convert_element_type3A_47 : vector<1000x64xbf16> to vector<1x1000x64xbf16>
    tpu.vector_store %arg9[%swap3A_48, %swap3A_49, %swap3A_50], %swap3A_53 {strides = array<i32>} : memref<2x1000x64xbf16, #tpu.memory_space<vmem>>, vector<1x1000x64xbf16>,
    return
  }
  func.func @transform_0(%arg0: i32) -> (i32, i32) {
    %c0_i32 = arith.constant 0 : i32
    %c0_i32_0 = arith.constant 0 : i32
    return %arg0, %c0_i32 : i32, i32
  }
  func.func @transform_1(%arg0: i32) -> (i32, i32) {
    %c0_i32 = arith.constant 0 : i32
    %c0_i32_0 = arith.constant 0 : i32
    %c0_i32_1 = arith.constant 0 : i32
    return %c0_i32, %c0_i32_0 : i32, i32
  }
  func.func @transform_2(%arg0: i32) -> (i32, i32) {
    %c0_i32 = arith.constant 0 : i32
    %c0_i32_0 = arith.constant 0 : i32
    %c0_i32_1 = arith.constant 0 : i32
    return %c0_i32, %c0_i32_0 : i32, i32
  }
  func.func @transform_3(%arg0: i32) -> (i32, i32) {
    %c0_i32 = arith.constant 0 : i32
    %c0_i32_0 = arith.constant 0 : i32
    %c0_i32_1 = arith.constant 0 : i32
    return %c0_i32, %c0_i32_0 : i32, i32
  }
  func.func @transform_4(%arg0: i32) -> (i32, i32) {
    %c0_i32 = arith.constant 0 : i32
    %c0_i32_0 = arith.constant 0 : i32
    %c0_i32_1 = arith.constant 0 : i32
    return %c0_i32, %c0_i32_0 : i32, i32
  }
  func.func @transform_5(%arg0: i32) -> (i32, i32) {
    %c0_i32 = arith.constant 0 : i32
    %c0_i32_0 = arith.constant 0 : i32
    %c0_i32_1 = arith.constant 0 : i32
    return %c0_i32, %c0_i32_0 : i32, i32
  }
  func.func @transform_6(%arg0: i32) -> (i32, i32) {
    %c0_i32 = arith.constant 0 : i32
    %c0_i32_0 = arith.constant 0 : i32
    %c0_i32_1 = arith.constant 0 : i32
    return %c0_i32, %c0_i32_0 : i32, i32
  }
  func.func @transform_7(%arg0: i32) -> (i32, i32) {
    %c0_i32 = arith.constant 0 : i32
    %c0_i32_0 = arith.constant 0 : i32
    return %arg0, %c0_i32 : i32, i32
  }
  func.func @transform_8(%arg0: i32) -> (i32, i32, i32) {
    %c0_i32 = arith.constant 0 : i32
    %c0_i32_0 = arith.constant 0 : i32
    %c0_i32_1 = arith.constant 0 : i32
    return %c0_i32, %arg0, %c0_i32_0 : i32, i32, i32
  }
}

module attributes {stable_mosaic.version = 14 : i64} {
  func.func @_mlp_out_body(%arg0: i32, %arg1: memref<1x1000x64xbf16, #tpu.memory_space<vmem>>, %arg2: memref<1x1000x64xbf16, #tpu.memory_space<vmem>>, %arg3: memref<1000x128xf32, #tpu.memory_space<vmem>>, %arg4: memref<128x128xf32, #tpu.memory_space<vmem>>, %arg5: memref<1x128xf32, #tpu.memory_space<vmem>>, %arg6: memref<128x128xf32, #tpu.memory_space<vmem>>, %arg7: memref<1x128xf32, #tpu.memory_space<vmem>>, %arg8: memref<1000x128xf32, #tpu.memory_space<vmem>>) attributes {dimension_semantics = [#tpu.dimension_semantics<arbitrary>], iteration_bounds = array<i64: 10>, scalar_prefetch = 0 : i64, scratch_operands = 0 : i64, tpu.core_type = #tpu.core_type<tc>, window_params = [{transform_indices = @transform_0, window_bounds = array<i64: 1, 1000, 64>}, {transform_indices = @transform_1, window_bounds = array<i64: 1, 1000, 64>}, {transform_indices = @transform_2, window_bounds = array<i64: 1000, 128>}, {pipeline_mode = #tpu.pipeline_mode<synchronous>, transform_indices = @transform_3, window_bounds = array<i64: 128, 128>}, {pipeline_mode = #tpu.pipeline_mode<synchronous>, transform_indices = @transform_4, window_bounds = array<i64: 1, 128>}, {pipeline_mode = #tpu.pipeline_mode<synchronous>, transform_indices = @transform_5, window_bounds = array<i64: 128, 128>}, {pipeline_mode = #tpu.pipeline_mode<synchronous>, transform_indices = @transform_6, window_bounds = array<i64: 1, 128>}, {transform_indices = @transform_7, window_bounds = array<i64: 1000, 128>}]} {
    %get3A = arith.constant 0 : index
    %get3A_0 = arith.constant 0 : index
    %get3A_1 = arith.constant 0 : index
    %get3A_2 = vector.load %arg1[%get3A, %get3A_0, %get3A_1] : memref<1x1000x64xbf16, #tpu.memory_space<vmem>>, vector<1x1000x64xbf16>
    %get3A_3 = vector.shape_cast %get3A_2 : vector<1x1000x64xbf16> to vector<1000x64xbf16>
    %get3A_4 = arith.constant 0 : index
    %get3A_5 = arith.constant 0 : index
    %get3A_6 = arith.constant 0 : index
    %get3A_7 = vector.load %arg2[%get3A_4, %get3A_5, %get3A_6] : memref<1x1000x64xbf16, #tpu.memory_space<vmem>>, vector<1x1000x64xbf16>
    %get3A_8 = vector.shape_cast %get3A_7 : vector<1x1000x64xbf16> to vector<1000x64xbf16>
    %concatenate3A = tpu.concatenate %get3A_3, %get3A_8 in 1 : vector<1000x64xbf16>, vector<1000x64xbf16> -> vector<1000x128xbf16>
    %convert_element_type3A = arith.extf %concatenate3A : vector<1000x128xbf16> to vector<1000x128xf32>
    %get3A_9 = arith.constant 0 : index
    %get3A_10 = arith.constant 0 : index
    %get3A_11 = vector.load %arg4[%get3A_9, %get3A_10] : memref<128x128xf32, #tpu.memory_space<vmem>>, vector<128x128xf32>
    %dot_general3A = arith.constant dense<0.000000e+00> : vector<1000x128xf32>
    %dot_general3A_12 = tpu.matmul %convert_element_type3A, %get3A_11, %dot_general3A {dimension_numbers = #tpu.dot_dimension_numbers<[1], [0], [0], [1], [0, 0, 1, 1], [], []>, transpose_lhs_hint = false} : vector<1000x128xf32>, vector<128x128xf32>, vector<1000x128xf32> -> vector<1000x128xf32>
    %get3A_13 = arith.constant 0 : index
    %get3A_14 = arith.constant 0 : index
    %get3A_15 = vector.load %arg5[%get3A_13, %get3A_14] : memref<1x128xf32, #tpu.memory_space<vmem>>, vector<1x128xf32>
    %add3A = vector.broadcast %get3A_15 : vector<1x128xf32> to vector<1000x128xf32>
    %add3A_16 = arith.addf %dot_general3A_12, %add3A : vector<1000x128xf32>
    %max3A = arith.constant 0.000000e+00 : f32
    %max3A_17 = vector.broadcast %max3A : f32 to vector<1000x128xf32>
    %max3A_18 = arith.maximumf %add3A_16, %max3A_17 : vector<1000x128xf32>
    %get3A_19 = arith.constant 0 : index
    %get3A_20 = arith.constant 0 : index
    %get3A_21 = vector.load %arg6[%get3A_19, %get3A_20] : memref<128x128xf32, #tpu.memory_space<vmem>>, vector<128x128xf32>
    %dot_general3A_22 = arith.constant dense<0.000000e+00> : vector<1000x128xf32>
    %dot_general3A_23 = tpu.matmul %max3A_18, %get3A_21, %dot_general3A_22 {dimension_numbers = #tpu.dot_dimension_numbers<[1], [0], [0], [1], [0, 0, 1, 1], [], []>, transpose_lhs_hint = false} : vector<1000x128xf32>, vector<128x128xf32>, vector<1000x128xf32> -> vector<1000x128xf32>
    %get3A_24 = arith.constant 0 : index
    %get3A_25 = arith.constant 0 : index
    %get3A_26 = vector.load %arg7[%get3A_24, %get3A_25] : memref<1x128xf32, #tpu.memory_space<vmem>>, vector<1x128xf32>
    %add3A_27 = vector.broadcast %get3A_26 : vector<1x128xf32> to vector<1000x128xf32>
    %add3A_28 = arith.addf %dot_general3A_23, %add3A_27 : vector<1000x128xf32>
    %max3A_29 = arith.constant 0.000000e+00 : f32
    %max3A_30 = vector.broadcast %max3A_29 : f32 to vector<1000x128xf32>
    %max3A_31 = arith.maximumf %add3A_28, %max3A_30 : vector<1000x128xf32>
    %get3A_32 = arith.constant 0 : index
    %get3A_33 = arith.constant 0 : index
    %get3A_34 = vector.load %arg3[%get3A_32, %get3A_33] : memref<1000x128xf32, #tpu.memory_space<vmem>>, vector<1000x128xf32>
    %add3A_35 = arith.addf %max3A_31, %get3A_34 : vector<1000x128xf32>
    %swap3A = arith.constant 0 : index
    %swap3A_36 = arith.constant 0 : index
    %swap3A_37 = vector.load %arg8[%swap3A, %swap3A_36] : memref<1000x128xf32, #tpu.memory_space<vmem>>, vector<1000x128xf32>
    tpu.vector_store %arg8[%swap3A, %swap3A_36], %add3A_35 {strides = array<i32>} : memref<1000x128xf32, #tpu.memory_space<vmem>>, vector<1000x128xf32>,
    return
  }
  func.func @transform_0(%arg0: i32) -> (i32, i32, i32) {
    %c0_i32 = arith.constant 0 : i32
    %c0_i32_0 = arith.constant 0 : i32
    %c0_i32_1 = arith.constant 0 : i32
    return %c0_i32, %arg0, %c0_i32_0 : i32, i32, i32
  }
  func.func @transform_1(%arg0: i32) -> (i32, i32, i32) {
    %c1_i32 = arith.constant 1 : i32
    %c0_i32 = arith.constant 0 : i32
    %c0_i32_0 = arith.constant 0 : i32
    return %c1_i32, %arg0, %c0_i32 : i32, i32, i32
  }
  func.func @transform_2(%arg0: i32) -> (i32, i32) {
    %c0_i32 = arith.constant 0 : i32
    %c0_i32_0 = arith.constant 0 : i32
    return %arg0, %c0_i32 : i32, i32
  }
  func.func @transform_3(%arg0: i32) -> (i32, i32) {
    %c0_i32 = arith.constant 0 : i32
    %c0_i32_0 = arith.constant 0 : i32
    %c0_i32_1 = arith.constant 0 : i32
    return %c0_i32, %c0_i32_0 : i32, i32
  }
  func.func @transform_4(%arg0: i32) -> (i32, i32) {
    %c0_i32 = arith.constant 0 : i32
    %c0_i32_0 = arith.constant 0 : i32
    %c0_i32_1 = arith.constant 0 : i32
    return %c0_i32, %c0_i32_0 : i32, i32
  }
  func.func @transform_5(%arg0: i32) -> (i32, i32) {
    %c0_i32 = arith.constant 0 : i32
    %c0_i32_0 = arith.constant 0 : i32
    %c0_i32_1 = arith.constant 0 : i32
    return %c0_i32, %c0_i32_0 : i32, i32
  }
  func.func @transform_6(%arg0: i32) -> (i32, i32) {
    %c0_i32 = arith.constant 0 : i32
    %c0_i32_0 = arith.constant 0 : i32
    %c0_i32_1 = arith.constant 0 : i32
    return %c0_i32, %c0_i32_0 : i32, i32
  }
  func.func @transform_7(%arg0: i32) -> (i32, i32) {
    %c0_i32 = arith.constant 0 : i32
    %c0_i32_0 = arith.constant 0 : i32
    return %arg0, %c0_i32 : i32, i32
  }
}

</mosaic_0001>

<sc_bundles>
// kernel: kernel.5.cloned.1.call-start
scs
__scs_entry_jumppad:
0x0: {  	(pc) =	sbr.rel $0x88, $3  }
0x1: {  	(tag) =	ssettag $0x0;
	lr =	simm.s32 $0x1  }
0x2: {  	[smem:$0x3F95] =	sst lr;
	_ =	strace $0xD0000000  }
0x3: {  	_ = 	snop  }
0x4: {  	_ = 	snop  }
0x5: {  	_ = 	snop  }
0x6: {  	_ = 	snop  }
0x7: {  	_ = 	snop  }
__scs_overlays_trampoline_lowered:
0x8: {  	[smem:$0x3FA4] =	sst s0  }
0x9: {  	[smem:$0x3FA5] =	sst s1  }
0xa: {  	[smem:$0x3FA6] =	sst s2  }
0xb: {  	[smem:$0x3FA7] =	sst s3  }
0xc: {  	[smem:$0x3FA8] =	sst s4  }
0xd: {  	[smem:$0x3FA9] =	sst s5  }
0xe: {  	[smem:$0x3FAA] =	sst s6  }
0xf: {  	[smem:$0x3FAB] =	sst s7  }
0x10: {  	[smem:$0x3FAC] =	sst s8  }
0x11: {  	[smem:$0x3FAD] =	sst s9;
	s0 =	simm.s32 @!p0 $0x0  }
0x12: {  	s1 =	sld [smem:$0x3F93];
	s0 =	simm.s32 @p0 $0x1  }
0x13: {  	[smem:$0x3FAE] =	sst s0;
	s0 =	simm.s32 @!p1 $0x0  }
0x14: {  	s2 =	sld [smem:$0x3F92];
	s0 =	simm.s32 @p1 $0x1  }
0x15: {  	[smem:$0x3FAF] =	sst s0;
	s0 =	simm.s32 @!p2 $0x0  }
0x16: {  	s3 =	sld [smem:$0x3FDB];
	s0 =	simm.s32 @p2 $0x1  }
0x17: {  	s4 =	simm.s32 $0x1BF5;
	[smem:$0x3FB1] =	sst s0  }
0x18: {  	s0 =	sld [smem:$0x3F94];
	_ =	swait.ge [sflag:s4], $0x0  }
0x19: {  	s7 =	sld [smem:$0x3F95]  }
0x1a: {  	s8 =	sadd.s32 $0xFFFFE003, lr  }
0x1b: {  	s9 =	sadd.s32 $0xFFFFFEF7, lr;
	s5 =	simm.s32 $0xFFFFFFFF;
	p2 =	slt.u32 s8, $0xFFFFF086  }
0x1c: {  	p1 =	slt.u32 s9, $0xF7A;
	s5 =	simm.s32 @!p2 $0x0  }
0x1d: {  	s5 =	simm.s32 @p1 $0x1;
	p0 =	seq.s32 s7, s2  }
0x1e: {  	s7 =	smul.u32 @!p0 $0xF7A, s2;
	p2 =	seq.s32 @!p0 s5, $0x0  }
0x1f: {  	s9 =	smul.u32 $0xF7A, s1;
	s8 =	simm.s32 @!p0 $0x1BF5;
	p2 =	por !p2, p0  }
0x20: {  	[sflag:s8] =	ssyncset.s32 @!p0 $0xFFFFF086;
	s6 =	sadd.s32 @!p0 s3, s7;
	s7 =	simm.s32 @!p0 $0x108  }
0x21: {  	s3 =	sadd.s32 s3, s9;
	s6 =	sadd.s32 @!p0 $0x88, s6;
	s7 =	simm.s32 @p2 $0x1082  }
0x22: {  	[simem:s7], [sflag:s8] =	dma.local @!p0 [hbm:s6], $0xF7A  }
0x23: {  	s9 =	sor.u32 $0xD0000000, s2;
	s6 =	simm.s32 $0x108;
	_ =	swait.ge @!p0 [sflag:s8], $0x0  }
0x24: {  	s3 =	sadd.s32 $0x88, s3;
	s6 =	simm.s32 @!p1 $0x1082;
	[sflag:s4] =	ssyncset.s32 $0xFFFFF086  }
0x25: {  	[simem:s6], [sflag:s4] =	dma.local [hbm:s3], $0xF7A  }
0x26: {  	[smem:$0x3F95] =	sst s1;
	(tag) =	ssettag s2;
	_ =	strace s9  }
0x27: {  	s1 =	sld [smem:$0x3FA5]  }
0x28: {  	s2 =	sld [smem:$0x3FA6]  }
0x29: {  	s4 =	sld [smem:$0x3FA8]  }
0x2a: {  	p0 =	seq.s32 s5, $0x0;
	s5 =	sld [smem:$0x3FA9]  }
0x2b: {  	s6 =	sld [smem:$0x3FAA]  }
0x2c: {  	s7 =	sld [smem:$0x3FAB]  }
0x2d: {  	s3 =	simm.s32 $0x108;
	s8 =	sld [smem:$0x3FAC]  }
0x2e: {  	s3 =	simm.s32 @!p0 $0x1082;
	s9 =	sld [smem:$0x3FAD]  }
0x2f: {  	lr =	sadd.s32 s0, s3;
	s0 =	sld [smem:$0x3FA4]  }
0x30: {  	s3 =	sld [smem:$0x3FA7]  }
0x31: {  	[smem:$0x3FB0] =	sst s10  }
0x32: {  	s10 =	sld [smem:$0x3FAE];
	_ =	sdelay $0x3  }
0x33: {  	p0 =	seq.s32 s10, $0x1;
	s10 =	sld [smem:$0x3FB0];
	_ =	sdelay $0x3  }
0x34: {  	[smem:$0x3FB0] =	sst s10  }
0x35: {  	s10 =	sld [smem:$0x3FAF];
	_ =	sdelay $0x3  }
0x36: {  	p1 =	seq.s32 s10, $0x1;
	s10 =	sld [smem:$0x3FB0];
	_ =	sdelay $0x3  }
0x37: {  	[smem:$0x3FB0] =	sst s10  }
0x38: {  	s10 =	sld [smem:$0x3FB1]  }
0x39: {  	_ = 	snop;
	(pc) =	sbr.ind lr, $3  }
0x3a: {  	_ = 	snop  }
0x3b: {  	_ = 	snop  }
0x3c: {  	p2 =	seq.s32 s10, $0x1;
	s10 =	sld [smem:$0x3FB0]  }
0x3d: {  	_ =	shalt  }
0x3e: {  	_ =	shalt  }
0x3f: {  	_ =	shalt  }
0x40: {  	_ =	shalt  }
0x41: {  	_ =	shalt  }
0x42: {  	_ =	shalt  }
0x43: {  	_ =	shalt  }
0x44: {  	_ =	shalt  }
0x45: {  	_ =	shalt  }
0x46: {  	_ =	shalt  }
0x47: {  	_ =	shalt  }
0x48: {  	_ =	shalt  }
0x49: {  	_ =	shalt  }
0x4a: {  	_ =	shalt  }
0x4b: {  	_ =	shalt  }
0x4c: {  	_ =	shalt  }
0x4d: {  	_ =	shalt  }
0x4e: {  	_ =	shalt  }
0x4f: {  	_ =	shalt  }
0x50: {  	_ =	shalt  }
0x51: {  	_ =	shalt  }
0x52: {  	_ =	shalt  }
0x53: {  	_ =	shalt  }
0x54: {  	_ =	shalt  }
0x55: {  	_ =	shalt  }
0x56: {  	_ =	shalt  }
0x57: {  	_ =	shalt  }
0x58: {  	_ =	shalt  }
0x59: {  	_ =	shalt  }
0x5a: {  	_ =	shalt  }
0x5b: {  	_ =	shalt  }
0x5c: {  	_ =	shalt  }
0x5d: {  	_ =	shalt  }
0x5e: {  	_ =	shalt  }
0x5f: {  	_ =	shalt  }
0x60: {  	_ =	shalt  }
0x61: {  	_ =	shalt  }
0x62: {  	_ =	shalt  }
0x63: {  	_ =	shalt  }
0x64: {  	_ =	shalt  }
0x65: {  	_ =	shalt  }
0x66: {  	_ =	shalt  }
0x67: {  	_ =	shalt  }
0x68: {  	_ =	shalt  }
0x69: {  	_ =	shalt  }
0x6a: {  	_ =	shalt  }
0x6b: {  	_ =	shalt  }
0x6c: {  	_ =	shalt  }
0x6d: {  	_ =	shalt  }
0x6e: {  	_ =	shalt  }
0x6f: {  	_ =	shalt  }
0x70: {  	_ =	shalt  }
0x71: {  	_ =	shalt  }
0x72: {  	_ =	shalt  }
0x73: {  	_ =	shalt  }
0x74: {  	_ =	shalt  }
0x75: {  	_ =	shalt  }
0x76: {  	_ =	shalt  }
0x77: {  	_ =	shalt  }
0x78: {  	_ =	shalt  }
0x79: {  	_ =	shalt  }
0x7a: {  	_ =	shalt  }
0x7b: {  	_ =	shalt  }
0x7c: {  	_ =	shalt  }
0x7d: {  	_ =	shalt  }
0x7e: {  	_ =	shalt  }
0x7f: {  	_ =	shalt  }
0x80: {  	_ =	shalt  }
0x81: {  	_ =	shalt  }
0x82: {  	_ =	shalt  }
0x83: {  	_ =	shalt  }
0x84: {  	_ =	shalt  }
0x85: {  	_ =	shalt  }
0x86: {  	_ =	shalt  }
0x87: {  	_ =	shalt  }
.Lfunc_end0:
.L_simem_size_0:
called_computation_lowered:
.L_overlay_start_0:
0x88: {  	s2 =	sld [smem:$0x3FD9]  }
0x89: {  	s3 =	sld [smem:$0x3FFE];
	_ =	sdelay $0x1  }
0x8a: {  	s1 =	srdreg.scid  }
0x8b: {  	s0 =	sand.u32 $0x1, s1  }
0x8c: {  	s17 =	sshll.u32 s0, $0xA;
	s2 =	sadd.s32 s3, s2  }
0x8d: {  	s2 =	sadd.s32 s2, s17  }
0x8e: {  	[smem:$0x3FBC] =	sst s2  }
0x8f: {  	_ = 	snop  }
0x90: {  	s2 =	sld [smem:$0x3FD0];
	(tm) =	ssettm $0x1  }
0x91: {  	s18 =	sld [smem:$0x3FFB];
	_ =	sdelay $0x3  }
0x92: {  	_ =	strace s18  }
0x93: {  	s3 =	sld [smem:$0x3FFC];
	_ =	sdelay $0x3  }
0x94: {  	_ =	strace s3  }
0x95: {  	s3 =	sld [smem:$0x3FFD];
	_ =	sdelay $0x3  }
0x96: {  	_ =	strace s3  }
0x97: {  	_ =	strace $0x8FFFFFFF  }
0x98: {  	s19 =	sld [smem:$0x3FDB];
	_ =	sdelay $0x1  }
0x99: {  	s4 =	simm.s32 $_scs_section_size  }
0x9a: {  	s5 =	simm.s32 $_size__tile_overlayer_lowered;
	s6 =	simm.s32 $_tile_overlayer_lowered  }
0x9b: {  	s22 =	simm.s32 $0x1BFF;
	s21 =	sshll.u32 s6, $0x1;
	s3 =	sadd.s32 s4, s19  }
0x9c: {  	s7 =	simm.s32 $0x0;
	s20 =	sshll.u32 s5, $0x1;
	s5 =	sadd.s32 s21, s3  }
0x9d: {  	[timem:s7], [sflag:s22] =	dma.local [hbm:s5], s20  }
0x9e: {  	_ =	swait.ge [sflag:s22], s20  }
0x9f: {  	s4 =	ssub.s32 $0x0, s20;
	[sflag:s22] =	ssyncset.done $0x0  }
0xa0: {  	[sflag:s22] =	ssyncadd.s32 s4;
	_ =	sdelay $0x1  }
0xa1: {  	s23 =	simm.s32 $0x1B8B  }
0xa2: {  	_ =	swait.ge [sflag:s23], $0x1  }
0xa3: {  	[sflag:s23] =	ssyncset.done $0x0  }
0xa4: {  	s25 =	simm.s32 $0x1B8E;
	s24 =	sld [smem:$0x3FFE];
	[sflag:s23] =	ssyncadd.s32 $0xFFFFFFFF  }
0xa5: {  	s26 =	simm.s32 $execute0_lowered;
	[smem:$0x3FD2] =	sst s25  }
0xa6: {  	s5 =	sshll.u32 s26, $0x1;
	_ =	strace $0x80000046;
	[dreg:$0x1] =	wrdreg $0xFFFFFFFF  }
0xa7: {  	s28 =	simm.s32 $_size_execute0_lowered;
	s3 =	sadd.s32 s3, s5;
	[dreg:$0x0] =	wrdreg $0x0  }
0xa8: {  	s5 =	sshll.u32 s28, $0x1;
	[dreg:$0x2] =	wrdreg s3  }
0xa9: {  	[dreg:$0x3] =	wrdreg s5  }
0xaa: {  	[dreg:$0x4] =	wrdreg $0xC0  }
0xab: {  	_ =	task [dreg:s7], $0x5FFFF  }
0xac: {  	[dreg:$0x1] =	wrdreg $0xFFFFFFFF  }
0xad: {  	[dreg:$0x0] =	wrdreg $0x60  }
0xae: {  	[dreg:$0x2] =	wrdreg s24  }
0xaf: {  	[dreg:$0x3] =	wrdreg s2  }
0xb0: {  	[dreg:$0x4] =	wrdreg $0x140000  }
0xb1: {  	[dreg:$0x5] =	wrdreg $0x9  }
0xb2: {  	_ =	task.clear_ibuf [dreg:s7], $0x6FFFF;
	_ =	strace $0x90000046  }
0xb3: {  	s29 =	simm.s32 $0x9;
	_ =	strace $0x80000048  }
0xb4: {  	_ =	swait.ge [sflag:s29], $0x1  }
0xb5: {  	[sflag:s29] =	ssyncadd.s32 $0xFFFFFFFF  }
0xb6: {  	_ =	strace $0x90000048  }
0xb7: {  	_ =	sfence  }
0xb8: {  	s30 =	sld [smem:$0x0];
	_ =	sdelay $0x2  }
0xb9: {  	s31 =	sshll.u32 s1, $0xD;
	s1 =	sshrl.u32 s1, $0x2  }
0xba: {  	s3 =	sand.u32 $0x4000, s31;
	s1 =	sadd.s32 s1, s30  }
0xbb: {  	s0 =	sor.u32 s3, s0;
	s1 =	sshll.u32 s1, $0x11  }
0xbc: {  	s0 =	sor.u32 s1, s0  }
0xbd: {  	s0 =	sadd.s32 $0x8F2B, s0  }
0xbe: {  	[sflag:s0] =	ssyncadd.remote.s32 $0x1  }
0xbf: {  	_ =	sfence.sel $0xFFFF  }
0xc0: {  	[dreg:$0x0] =	wrdreg $0xFFFFFFFF;
	(pc) =	sbr.abs _section_cstart, $3  }
0xc1: {  	[dreg:$0x1] =	wrdreg $0xFFFFFFFF  }
0xc2: {  	_ =	task.clear_ibuf [dreg:s7], $0x2FFFF;
	_ =	strace $0x9FFFFFFF  }
0xc3: {  	(tm) =	ssettm $0x7FFFFFFF  }
tec
execute0_lowered:
.L_overlay_start_1:
0x0: {  	(tag) =	ssettag $0x1  }
0x1: {  	s0 =	rddreg [dreg:$0x0]  }
0x2: {  	s1 =	rddreg [dreg:$0x1]  }
0x3: {  	s2 =	rddreg [dreg:$0x2];
	s3 =	simm.s32 $0x0;
	s13 =	stileid.u32  }
0x4: {  	s7 =	srdreg.scid;
	s14 =	simm.s32 $0x80;
	s15 =	simm.s32 $0xA000  }
0x5: {  	s16 =	simm.s32 $0xB000;
	s17 =	simm.s32 $0x100;
	s18 =	simm.s32 $0xC000  }
0x6: {  	s20 =	simm.s32 $0xD000;
	s22 =	simm.s32 $0xE000;
	s26 =	simm.s32 $0x2  }
0x7: {  	s28 =	simm.s32 $0x0;
	[smem:$0x7FF] =	sst s3;
	s5 =	smul.u32 $0xA00, s13  }
0x8: {  	s6 =	smul.u32 $0x9E00, s13;
	s4 =	sadd.s32 $0x1600, s0;
	s9 =	sand.u32 $0x1, s7  }
0x9: {  	s30 =	sshll.u32 s13, $0x6;
	s13 =	simm.s32 $0x5000;
	s12 =	smul.u32 $0x9E000, s9  }
0xa: {  	_ =	strace $0x80000047;
	s7 =	ssub.s32 $0x2, s9;
	s25 =	smul.u32 $0x2710, s9  }
0xb: {  	s8 =	sadd.s32 s5, s0;
	s29 =	sshrl.u32 s6, $0x4;
	s10 =	sshrl.u32 s7, $0x1  }
0xc: {  	s11 =	sshrl.u32 s6, $0x1;
	s0 =	sadd.s32 s29, s0;
	s10 =	ssub.s32 s7, s10  }
0xd: {  	s11 =	sadd.s32 s11, s2;
	s12 =	sadd.s32 s6, s12;
	s6 =	sor.u32 $0x1C03, s30  }
0xe: {  	s7 =	sadd.s32 $0x28E00, s8;
	s8 =	sadd.s32 $0x1EE00, s8;
	v0 =	vmov s25;
	s25 =	simm.s32 $0x1  }
0xf: {  	s5 =	sadd.s32 $0x15000, s0;
	s31 =	sshrl.u32 s12, $0x4;
	s10 =	smax.u32 s10, $0x1  }
0x10: {  	s11 =	sshrl.u32 s11, $0x3;
	s12 =	simm.s32 $0x3;
	s9 =	sadd.s32 s1, s31  }
.LBB2_1:
0x11: {  	[spmem:s11], [sflag:s6] =	dma.local [hbm:s5], $0x9E0  }
0x12: {  	_ =	swait.ge [sflag:s12], $0x9E0  }
0x13: {  	[sflag:s12] =	ssyncset.done $0x0  }
0x14: {  	[sflag:s12] =	ssyncadd.s32 $0xFFFFF620  }
0x15: {  	[tilespmem:s3], [sflag:$0x3] =	stream.linear.gather [hbm4b:s7+s3], $0x5000, $0x38;
	[tilespmem:$0x18F00] =	vst v63  }
0x16: {  	_ =	swait.ge [sflag:s12], $0x5000  }
0x17: {  	[sflag:s12] =	ssyncset.done $0x0  }
0x18: {  	[sflag:s12] =	ssyncadd.s32 $0xFFFFB000  }
0x19: {  	[tilespmem:s13], [sflag:$0x3] =	stream.linear.gather [hbm4b:s8+s3], $0x5000, $0x38;
	[tilespmem:$0x18F00] =	vst v63  }
0x1a: {  	_ =	swait.ge [sflag:s12], $0x5000  }
0x1b: {  	[sflag:s12] =	ssyncset.done $0x0  }
0x1c: {  	[sflag:s12] =	ssyncadd.s32 $0xFFFFB000  }
0x1d: {  	v1 =	vld [tilespmem:s17+$0xFFFFFF00]  }
0x1e: {  	v2 =	vld [tilespmem:s17+$0xFFFFFF10]  }
0x1f: {  	v3 =	vld [tilespmem:s17+$0xFFFFFF20]  }
0x20: {  	v4 =	vld [tilespmem:s17+$0xFFFFFF30]  }
0x21: {  	v5 =	vld [tilespmem:s17+$0xFFFFFF40]  }
0x22: {  	v6 =	vld [tilespmem:s17+$0xFFFFFF50];
	v1 =	vadd.s32 v0, v1  }
0x23: {  	[tilespmem:s17+$0xFFFFFF00] =	vst v1;
	v1 =	vadd.s32 v0, v2;
	v2 =	vld [tilespmem:s17+$0xFFFFFF60]  }
0x24: {  	[tilespmem:s17+$0xFFFFFF10] =	vst v1;
	v1 =	vadd.s32 v0, v3;
	v3 =	vld [tilespmem:s17+$0xFFFFFF70]  }
0x25: {  	[tilespmem:s17+$0xFFFFFF20] =	vst v1;
	v1 =	vadd.s32 v0, v4;
	v4 =	vld [tilespmem:s17+$0xFFFFFF80]  }
0x26: {  	[tilespmem:s17+$0xFFFFFF30] =	vst v1;
	v1 =	vadd.s32 v0, v5;
	v5 =	vld [tilespmem:s17+$0xFFFFFF90]  }
0x27: {  	[tilespmem:s17+$0xFFFFFF40] =	vst v1;
	v1 =	vadd.s32 v0, v6;
	v6 =	vld [tilespmem:s17+$0xFFFFFFA0]  }
0x28: {  	[tilespmem:s17+$0xFFFFFF50] =	vst v1;
	v1 =	vadd.s32 v0, v2;
	v2 =	vld [tilespmem:s17+$0xFFFFFFB0]  }
0x29: {  	[tilespmem:s17+$0xFFFFFF60] =	vst v1;
	v1 =	vadd.s32 v0, v3;
	v3 =	vld [tilespmem:s17+$0xFFFFFFC0]  }
0x2a: {  	[tilespmem:s17+$0xFFFFFF70] =	vst v1;
	v1 =	vadd.s32 v0, v4;
	v4 =	vld [tilespmem:s17+$0xFFFFFFD0]  }
0x2b: {  	[tilespmem:s17+$0xFFFFFF80] =	vst v1;
	v1 =	vadd.s32 v0, v5;
	v5 =	vld [tilespmem:s17+$0xFFFFFFE0]  }
0x2c: {  	[tilespmem:s17+$0xFFFFFF90] =	vst v1;
	v1 =	vadd.s32 v0, v6;
	v6 =	vld [tilespmem:s17+$0x0]  }
0x2d: {  	[tilespmem:s17+$0xFFFFFFA0] =	vst v1;
	v1 =	vadd.s32 v0, v2;
	v2 =	vld [tilespmem:s17+$0x10]  }
0x2e: {  	[tilespmem:s17+$0xFFFFFFB0] =	vst v1;
	v1 =	vadd.s32 v0, v3;
	v3 =	vld [tilespmem:s17+$0x20]  }
0x2f: {  	[tilespmem:s17+$0xFFFFFFC0] =	vst v1;
	v1 =	vadd.s32 v0, v4;
	v4 =	vld [tilespmem:s17+$0x30]  }
0x30: {  	[tilespmem:s17+$0xFFFFFFD0] =	vst v1;
	v1 =	vadd.s32 v0, v5;
	v5 =	vld [tilespmem:s17+$0x40]  }
0x31: {  	[tilespmem:s17+$0xFFFFFFE0] =	vst v1;
	v1 =	vadd.s32 v0, v6;
	v6 =	vld [tilespmem:s17+$0x50]  }
0x32: {  	[tilespmem:s17+$0x0] =	vst v1;
	v1 =	vadd.s32 v0, v2;
	v2 =	vld [tilespmem:s17+$0x60]  }
0x33: {  	[tilespmem:s17+$0x10] =	vst v1;
	v1 =	vadd.s32 v0, v3;
	v3 =	vld [tilespmem:s17+$0x70]  }
0x34: {  	[tilespmem:s17+$0x20] =	vst v1;
	v1 =	vadd.s32 v0, v4;
	v4 =	vld [tilespmem:s17+$0x80]  }
0x35: {  	[tilespmem:s17+$0x30] =	vst v1;
	v1 =	vadd.s32 v0, v5;
	v5 =	vld [tilespmem:s17+$0x90]  }
0x36: {  	[tilespmem:s17+$0x40] =	vst v1;
	v1 =	vadd.s32 v0, v6;
	v6 =	vld [tilespmem:s17+$0xA0]  }
0x37: {  	v7 =	vld [tilespmem:s17+$0xB0];
	[tilespmem:s17+$0x50] =	vst v1;
	v1 =	vadd.s32 v0, v2  }
0x38: {  	[tilespmem:s17+$0x60] =	vst v1;
	v2 =	vadd.s32 v0, v3;
	v1 =	vld [tilespmem:s17+$0xC0]  }
0x39: {  	[tilespmem:s17+$0x70] =	vst v2;
	v3 =	vadd.s32 v0, v4;
	v2 =	vld [tilespmem:s17+$0xD0]  }
0x3a: {  	[tilespmem:s17+$0x80] =	vst v3;
	v4 =	vadd.s32 v0, v5;
	v3 =	vld [tilespmem:s17+$0xE0]  }
0x3b: {  	[tilespmem:s17+$0x90] =	vst v4;
	v6 =	vadd.s32 v0, v6;
	v4 =	vld [tilespmem:s17+$0xF0]  }
0x3c: {  	s30 =	simm.s32 $0x0;
	s31 =	simm.s32 $0x300;
	s29 =	simm.s32 $0x100;
	v5 =	vld [tilespmem:s17+$0xFFFFFFF0];
	[tilespmem:s17+$0xA0] =	vst v6;
	v6 =	vadd.s32 v0, v7  }
.LBB2_2:
0x3d: {  	v7 =	vld [tilespmem:s31+$0xFFFFFF00];
	[tilespmem:s29+$0xB0] =	vst v6;
	v1 =	vadd.s32 v0, v1  }
0x3e: {  	v6 =	vld [tilespmem:s31+$0xFFFFFF10];
	[tilespmem:s29+$0xC0] =	vst v1;
	v1 =	vadd.s32 v0, v2  }
0x3f: {  	v2 =	vld [tilespmem:s31+$0xFFFFFF20];
	[tilespmem:s29+$0xD0] =	vst v1;
	v1 =	vadd.s32 v0, v3  }
0x40: {  	v3 =	vld [tilespmem:s31+$0xFFFFFF30];
	[tilespmem:s29+$0xE0] =	vst v1;
	v1 =	vadd.s32 v0, v4  }
0x41: {  	v4 =	vld [tilespmem:s31+$0xFFFFFF40];
	v5 =	vadd.s32 v0, v5;
	[tilespmem:s29+$0xF0] =	vst v1  }
0x42: {  	v1 =	vadd.s32 v0, v7;
	v7 =	vld [tilespmem:s31+$0xFFFFFF50];
	[tilespmem:s29+$0xFFFFFFF0] =	vst v5;
	s29 =	smov.u32 s31  }
0x43: {  	[tilespmem:s31+$0xFFFFFF00] =	vst v1;
	v1 =	vadd.s32 v0, v6;
	v5 =	vld [tilespmem:s31+$0xFFFFFF60]  }
0x44: {  	[tilespmem:s31+$0xFFFFFF10] =	vst v1;
	v1 =	vadd.s32 v0, v2;
	v2 =	vld [tilespmem:s31+$0xFFFFFF70]  }
0x45: {  	[tilespmem:s31+$0xFFFFFF20] =	vst v1;
	v1 =	vadd.s32 v0, v3;
	v3 =	vld [tilespmem:s31+$0xFFFFFF80]  }
0x46: {  	[tilespmem:s31+$0xFFFFFF30] =	vst v1;
	v1 =	vadd.s32 v0, v4;
	v4 =	vld [tilespmem:s31+$0xFFFFFF90]  }
0x47: {  	[tilespmem:s31+$0xFFFFFF40] =	vst v1;
	v1 =	vadd.s32 v0, v7;
	v6 =	vld [tilespmem:s31+$0xFFFFFFA0]  }
0x48: {  	[tilespmem:s31+$0xFFFFFF50] =	vst v1;
	v1 =	vadd.s32 v0, v5;
	v5 =	vld [tilespmem:s31+$0xFFFFFFB0]  }
0x49: {  	[tilespmem:s31+$0xFFFFFF60] =	vst v1;
	v1 =	vadd.s32 v0, v2;
	v2 =	vld [tilespmem:s31+$0xFFFFFFC0]  }
0x4a: {  	[tilespmem:s31+$0xFFFFFF70] =	vst v1;
	v1 =	vadd.s32 v0, v3;
	v3 =	vld [tilespmem:s31+$0xFFFFFFD0]  }
0x4b: {  	[tilespmem:s31+$0xFFFFFF80] =	vst v1;
	v1 =	vadd.s32 v0, v4;
	v4 =	vld [tilespmem:s31+$0xFFFFFFE0]  }
0x4c: {  	[tilespmem:s31+$0xFFFFFF90] =	vst v1;
	v1 =	vadd.s32 v0, v6;
	v6 =	vld [tilespmem:s31+$0x0]  }
0x4d: {  	[tilespmem:s31+$0xFFFFFFA0] =	vst v1;
	v1 =	vadd.s32 v0, v5;
	v5 =	vld [tilespmem:s31+$0x10]  }
0x4e: {  	[tilespmem:s31+$0xFFFFFFB0] =	vst v1;
	v1 =	vadd.s32 v0, v2;
	v2 =	vld [tilespmem:s31+$0x20]  }
0x4f: {  	[tilespmem:s31+$0xFFFFFFC0] =	vst v1;
	v1 =	vadd.s32 v0, v3;
	v3 =	vld [tilespmem:s31+$0x30]  }
0x50: {  	[tilespmem:s31+$0xFFFFFFD0] =	vst v1;
	v1 =	vadd.s32 v0, v4;
	v4 =	vld [tilespmem:s31+$0x40]  }
0x51: {  	[tilespmem:s31+$0xFFFFFFE0] =	vst v1;
	v1 =	vadd.s32 v0, v6;
	v6 =	vld [tilespmem:s31+$0x50]  }
0x52: {  	[tilespmem:s31+$0x0] =	vst v1;
	v1 =	vadd.s32 v0, v5;
	v5 =	vld [tilespmem:s31+$0x60]  }
0x53: {  	[tilespmem:s31+$0x10] =	vst v1;
	v1 =	vadd.s32 v0, v2;
	v2 =	vld [tilespmem:s31+$0x70]  }
0x54: {  	[tilespmem:s31+$0x20] =	vst v1;
	v1 =	vadd.s32 v0, v3;
	v3 =	vld [tilespmem:s31+$0x80]  }
0x55: {  	[tilespmem:s31+$0x30] =	vst v1;
	v1 =	vadd.s32 v0, v4;
	v4 =	vld [tilespmem:s31+$0x90]  }
0x56: {  	s30 =	sadd.s32 $0x4, s30;
	[tilespmem:s31+$0x40] =	vst v1;
	v1 =	vadd.s32 v0, v6;
	v6 =	vld [tilespmem:s31+$0xA0]  }
0x57: {  	p0 =	slt.u32 s30, $0x9C;
	[tilespmem:s31+$0x50] =	vst v1;
	v1 =	vadd.s32 v0, v5;
	v7 =	vld [tilespmem:s31+$0xB0]  }
.Ltmp0:
0x58: {  	[tilespmem:s31+$0x60] =	vst v1;
	v2 =	vadd.s32 v0, v2;
	v1 =	vld [tilespmem:s31+$0xC0];
	(pc) =	sbr.rel @p0 .LBB2_2-.Ltmp0, $4  }
0x59: {  	[tilespmem:s31+$0x70] =	vst v2;
	v3 =	vadd.s32 v0, v3;
	v2 =	vld [tilespmem:s31+$0xD0]  }
0x5a: {  	[tilespmem:s31+$0x80] =	vst v3;
	v4 =	vadd.s32 v0, v4;
	v3 =	vld [tilespmem:s31+$0xE0]  }
0x5b: {  	[tilespmem:s31+$0x90] =	vst v4;
	v6 =	vadd.s32 v0, v6;
	v4 =	vld [tilespmem:s31+$0xF0]  }
0x5c: {  	s31 =	sadd.s32 $0x200, s31;
	v5 =	vld [tilespmem:s29+$0xFFFFFFF0];
	[tilespmem:s29+$0xA0] =	vst v6;
	v6 =	vadd.s32 v0, v7  }
0x5d: {  	[tilespmem:s29+$0xB0] =	vst v6;
	v1 =	vadd.s32 v0, v1  }
0x5e: {  	[tilespmem:s29+$0xC0] =	vst v1;
	v1 =	vadd.s32 v0, v2  }
0x5f: {  	[tilespmem:s29+$0xD0] =	vst v1;
	v1 =	vadd.s32 v0, v3  }
0x60: {  	[tilespmem:s29+$0xE0] =	vst v1;
	v1 =	vadd.s32 v0, v4  }
0x61: {  	v2 =	vadd.s32 v0, v5;
	[tilespmem:s29+$0xF0] =	vst v1  }
0x62: {  	[tilespmem:s29+$0xFFFFFFF0] =	vst v2  }
0x63: {  	s0 =	simm.s32 $0x0;
	[bflag:$0x0] =	sbarrier.arrive $0xFFFF  }
0x64: {  	[tilespmem:s15], [sflag:$0x1] =	stream.indirect.gather [hbm4b:s4+s14], $0x20, s0, s14, $0xb8;
	[tilespmem:$0x18F00] =	vst v63  }
0x65: {  	_ = 	snop  }
0x66: {  	[tilespmem:s16], [sflag:$0x1] =	stream.indirect.gather [hbm4b:s4+s14], $0x20, s14, s14, $0xb8;
	[tilespmem:$0x18F00] =	vst v63  }
0x67: {  	_ = 	snop  }
0x68: {  	[tilespmem:s18], [sflag:$0x1] =	stream.indirect.gather [hbm4b:s4+s14], $0x20, s17, s14, $0xb8;
	[tilespmem:$0x18F00] =	vst v63  }
0x69: {  	s19 =	simm.s32 $0x180  }
0x6a: {  	[tilespmem:s20], [sflag:$0x1] =	stream.indirect.gather [hbm4b:s4+s14], $0x20, s19, s14, $0xb8;
	[tilespmem:$0x18F00] =	vst v63  }
0x6b: {  	s21 =	simm.s32 $0x200;
	s0 =	simm.s32 $0x1  }
0x6c: {  	[tilespmem:s22], [sflag:$0x1] =	stream.indirect.gather [hbm4b:s4+s14], $0x20, s21, s14, $0xb8;
	[tilespmem:$0x18F00] =	vst v63  }
0x6d: {  	_ =	swait.ge [sflag:s0], $0x1000  }
0x6e: {  	[sflag:s0] =	ssyncset.done $0x0  }
0x6f: {  	[sflag:s0] =	ssyncadd.s32 $0xFFFFF000  }
0x70: {  	_ =	swait.ge [sflag:s0], $0x1000  }
0x71: {  	[sflag:s0] =	ssyncset.done $0x0  }
0x72: {  	[sflag:s0] =	ssyncadd.s32 $0xFFFFF000  }
0x73: {  	_ =	swait.ge [sflag:s0], $0x1000  }
0x74: {  	[sflag:s0] =	ssyncset.done $0x0  }
0x75: {  	[sflag:s0] =	ssyncadd.s32 $0xFFFFF000  }
0x76: {  	_ =	swait.ge [sflag:s0], $0x1000  }
0x77: {  	[sflag:s0] =	ssyncset.done $0x0  }
0x78: {  	[sflag:s0] =	ssyncadd.s32 $0xFFFFF000  }
0x79: {  	_ =	swait.ge [sflag:s0], $0x1000  }
0x7a: {  	[sflag:s0] =	ssyncset.done $0x0  }
0x7b: {  	s1 =	simm.s32 $0x280;
	s19 =	simm.s32 $0xF000;
	[sflag:s0] =	ssyncadd.s32 $0xFFFFF000  }
0x7c: {  	[tilespmem:s19], [sflag:$0x1] =	stream.indirect.gather [hbm4b:s4+s14], $0x20, s1, s14, $0xb8;
	[tilespmem:$0x18F00] =	vst v63  }
0x7d: {  	s23 =	simm.s32 $0x300;
	s24 =	simm.s32 $0x10000  }
0x7e: {  	[tilespmem:s24], [sflag:$0x1] =	stream.indirect.gather [hbm4b:s4+s14], $0x20, s23, s14, $0xb8;
	[tilespmem:$0x18F00] =	vst v63  }
0x7f: {  	s21 =	simm.s32 $0x11000;
	s19 =	simm.s32 $0x380  }
0x80: {  	[tilespmem:s21], [sflag:$0x1] =	stream.indirect.gather [hbm4b:s4+s14], $0x20, s19, s14, $0xb8;
	[tilespmem:$0x18F00] =	vst v63  }
0x81: {  	s23 =	simm.s32 $0x400;
	s24 =	simm.s32 $0x12000  }
0x82: {  	[tilespmem:s24], [sflag:$0x1] =	stream.indirect.gather [hbm4b:s4+s14], $0x20, s23, s14, $0xb8;
	[tilespmem:$0x18F00] =	vst v63  }
0x83: {  	s21 =	simm.s32 $0x480;
	s23 =	simm.s32 $0x13000  }
0x84: {  	[tilespmem:s23], [sflag:$0x1] =	stream.indirect.gather [hbm4b:s4+s14], $0x20, s21, s14, $0xb8;
	[tilespmem:$0x18F00] =	vst v63  }
0x85: {  	_ = 	snop  }
0x86: {  	[spmem:s2] =	stream.indirect.scatter.add.bf16 [tilespmem:s15], [sflag:$0x2], $0x20, s13, s14, $0xb8;
	[tilespmem:$0x18F00] =	vst v63  }
0x87: {  	s24 =	simm.s32 $0x5080  }
0x88: {  	[spmem:s2] =	stream.indirect.scatter.add.bf16 [tilespmem:s16], [sflag:$0x2], $0x20, s24, s14, $0xb8;
	[tilespmem:$0x18F00] =	vst v63  }
0x89: {  	s19 =	simm.s32 $0x5100  }
0x8a: {  	[spmem:s2] =	stream.indirect.scatter.add.bf16 [tilespmem:s18], [sflag:$0x2], $0x20, s19, s14, $0xb8;
	[tilespmem:$0x18F00] =	vst v63  }
0x8b: {  	s21 =	simm.s32 $0x5180  }
0x8c: {  	[spmem:s2] =	stream.indirect.scatter.add.bf16 [tilespmem:s20], [sflag:$0x2], $0x20, s21, s14, $0xb8;
	[tilespmem:$0x18F00] =	vst v63  }
0x8d: {  	s23 =	simm.s32 $0x5200  }
0x8e: {  	[spmem:s2] =	stream.indirect.scatter.add.bf16 [tilespmem:s22], [sflag:$0x2], $0x20, s23, s14, $0xb8;
	[tilespmem:$0x18F00] =	vst v63  }
0x8f: {  	_ =	swait.ge [sflag:s25], $0x1000  }
0x90: {  	[sflag:s25] =	ssyncset.done $0x0  }
0x91: {  	[sflag:s25] =	ssyncadd.s32 $0xFFFFF000  }
0x92: {  	_ =	swait.ge [sflag:s25], $0x1000  }
0x93: {  	[sflag:s25] =	ssyncset.done $0x0  }
0x94: {  	[sflag:s25] =	ssyncadd.s32 $0xFFFFF000  }
0x95: {  	_ =	swait.ge [sflag:s25], $0x1000  }
0x96: {  	[sflag:s25] =	ssyncset.done $0x0  }
0x97: {  	[sflag:s25] =	ssyncadd.s32 $0xFFFFF000  }
0x98: {  	_ =	swait.ge [sflag:s25], $0x1000  }
0x99: {  	[sflag:s25] =	ssyncset.done $0x0  }
0x9a: {  	[sflag:s25] =	ssyncadd.s32 $0xFFFFF000  }
0x9b: {  	_ =	swait.ge [sflag:s25], $0x1000  }
0x9c: {  	[sflag:s25] =	ssyncset.done $0x0  }
0x9d: {  	[sflag:s25] =	ssyncadd.s32 $0xFFFFF000  }
0x9e: {  	_ =	swait.ge [sflag:s26], $0x200  }
0x9f: {  	[sflag:s26] =	ssyncset.done $0x0  }
0xa0: {  	[sflag:s26] =	ssyncadd.s32 $0xFFFFFE00  }
0xa1: {  	_ =	swait.ge [sflag:s26], $0x200  }
0xa2: {  	[sflag:s26] =	ssyncset.done $0x0  }
0xa3: {  	[sflag:s26] =	ssyncadd.s32 $0xFFFFFE00  }
0xa4: {  	_ =	swait.ge [sflag:s26], $0x200  }
0xa5: {  	[sflag:s26] =	ssyncset.done $0x0  }
0xa6: {  	[sflag:s26] =	ssyncadd.s32 $0xFFFFFE00  }
0xa7: {  	s0 =	sand.u32 $0x1, s0;
	_ =	swait.ge [sflag:s26], $0x200  }
0xa8: {  	s24 =	sxor.u32 $0x1, s0;
	[sflag:s26] =	ssyncset.done $0x0  }
0xa9: {  	s29 =	simm.s32 $0x5;
	s1 =	smul.u32 $0x14000, s24;
	[sflag:s26] =	ssyncadd.s32 $0xFFFFFE00  }
0xaa: {  	s29 =	smin.u32 s29, $0x96;
	_ =	swait.ge [sflag:s26], $0x200  }
0xab: {  	s29 =	sshll.u32 s29, $0x7;
	s1 =	sshrl.u32 s1, $0x2;
	[sflag:s26] =	ssyncset.done $0x0  }
0xac: {  	s31 =	sadd.s32 $0x280, s29;
	s30 =	sadd.s32 $0xA000, s1;
	[sflag:s26] =	ssyncadd.s32 $0xFFFFFE00  }
0xad: {  	[tilespmem:s30], [sflag:$0x1] =	stream.indirect.gather [hbm4b:s4+s14], $0x20, s31, s14, $0xb8;
	[tilespmem:$0x18F00] =	vst v63  }
0xae: {  	s30 =	sadd.s32 $0xB000, s1;
	s31 =	sadd.s32 $0x300, s29  }
0xaf: {  	[tilespmem:s30], [sflag:$0x1] =	stream.indirect.gather [hbm4b:s4+s14], $0x20, s31, s14, $0xb8;
	[tilespmem:$0x18F00] =	vst v63  }
0xb0: {  	s30 =	sadd.s32 $0xC000, s1;
	s31 =	sadd.s32 $0x380, s29  }
0xb1: {  	[tilespmem:s30], [sflag:$0x1] =	stream.indirect.gather [hbm4b:s4+s14], $0x20, s31, s14, $0xb8;
	[tilespmem:$0x18F00] =	vst v63  }
0xb2: {  	s0 =	smul.u32 $0x14000, s0;
	s30 =	sadd.s32 $0xD000, s1;
	s31 =	sadd.s32 $0x400, s29  }
0xb3: {  	[tilespmem:s30], [sflag:$0x1] =	stream.indirect.gather [hbm4b:s4+s14], $0x20, s31, s14, $0xb8;
	[tilespmem:$0x18F00] =	vst v63  }
0xb4: {  	s0 =	sshrl.u32 s0, $0x2;
	s1 =	sadd.s32 $0xE000, s1;
	s29 =	sadd.s32 $0x480, s29  }
0xb5: {  	[tilespmem:s1], [sflag:$0x1] =	stream.indirect.gather [hbm4b:s4+s14], $0x20, s29, s14, $0xb8;
	[tilespmem:$0x18F00] =	vst v63  }
0xb6: {  	s19 =	sadd.s32 $0xA000, s0;
	s29 =	simm.s32 $0x5280  }
0xb7: {  	[spmem:s2] =	stream.indirect.scatter.add.bf16 [tilespmem:s19], [sflag:$0x2], $0x20, s29, s14, $0xb8;
	[tilespmem:$0x18F00] =	vst v63  }
0xb8: {  	s21 =	sadd.s32 $0xB000, s0;
	s29 =	simm.s32 $0x5300  }
0xb9: {  	[spmem:s2] =	stream.indirect.scatter.add.bf16 [tilespmem:s21], [sflag:$0x2], $0x20, s29, s14, $0xb8;
	[tilespmem:$0x18F00] =	vst v63  }
0xba: {  	s24 =	sadd.s32 $0xD000, s0;
	s23 =	sadd.s32 $0xC000, s0;
	s29 =	simm.s32 $0x5380  }
0xbb: {  	[spmem:s2] =	stream.indirect.scatter.add.bf16 [tilespmem:s23], [sflag:$0x2], $0x20, s29, s14, $0xb8;
	[tilespmem:$0x18F00] =	vst v63  }
0xbc: {  	s0 =	sadd.s32 $0xE000, s0;
	s30 =	simm.s32 $0xA;
	s29 =	simm.s32 $0x5400  }
0xbd: {  	[spmem:s2] =	stream.indirect.scatter.add.bf16 [tilespmem:s24], [sflag:$0x2], $0x20, s29, s14, $0xb8;
	[tilespmem:$0x18F00] =	vst v63  }
0xbe: {  	s31 =	simm.s32 $0x2;
	s1 =	simm.s32 $0x5480;
	s29 =	simm.s32 $0xA00  }
.LBB2_4:
0xbf: {  	[spmem:s2] =	stream.indirect.scatter.add.bf16 [tilespmem:s0], [sflag:$0x2], $0x20, s1, s14, $0xb8;
	[tilespmem:$0x18F00] =	vst v63  }
0xc0: {  	s0 =	smov.u32 s29  }
0xc1: {  	p0 =	sne.s32 s29, $0x12C00;
	s29 =	sadd.s32 $0xA00, s29;
	_ =	swait.ge [sflag:s25], $0x1000  }
0xc2: {  	[sflag:s25] =	ssyncset.done $0x0  }
0xc3: {  	[sflag:s25] =	ssyncadd.s32 $0xFFFFF000  }
0xc4: {  	_ =	swait.ge [sflag:s25], $0x1000  }
0xc5: {  	[sflag:s25] =	ssyncset.done $0x0  }
0xc6: {  	[sflag:s25] =	ssyncadd.s32 $0xFFFFF000  }
0xc7: {  	_ =	swait.ge [sflag:s25], $0x1000  }
0xc8: {  	[sflag:s25] =	ssyncset.done $0x0  }
0xc9: {  	[sflag:s25] =	ssyncadd.s32 $0xFFFFF000  }
0xca: {  	_ =	swait.ge [sflag:s25], $0x1000  }
0xcb: {  	[sflag:s25] =	ssyncset.done $0x0  }
0xcc: {  	[sflag:s25] =	ssyncadd.s32 $0xFFFFF000  }
0xcd: {  	_ =	swait.ge [sflag:s25], $0x1000  }
0xce: {  	[sflag:s25] =	ssyncset.done $0x0  }
0xcf: {  	[sflag:s25] =	ssyncadd.s32 $0xFFFFF000  }
0xd0: {  	_ =	swait.ge [sflag:s26], $0x200  }
0xd1: {  	[sflag:s26] =	ssyncset.done $0x0  }
0xd2: {  	[sflag:s26] =	ssyncadd.s32 $0xFFFFFE00  }
0xd3: {  	_ =	swait.ge [sflag:s26], $0x200  }
0xd4: {  	[sflag:s26] =	ssyncset.done $0x0  }
0xd5: {  	[sflag:s26] =	ssyncadd.s32 $0xFFFFFE00  }
0xd6: {  	_ =	swait.ge [sflag:s26], $0x200  }
0xd7: {  	[sflag:s26] =	ssyncset.done $0x0  }
0xd8: {  	[sflag:s26] =	ssyncadd.s32 $0xFFFFFE00  }
0xd9: {  	s1 =	sand.u32 $0x1, s31;
	_ =	swait.ge [sflag:s26], $0x200  }
0xda: {  	s19 =	sxor.u32 $0x1, s1;
	s1 =	smul.u32 $0x14000, s1;
	[sflag:s26] =	ssyncset.done $0x0  }
0xdb: {  	s19 =	smul.u32 $0x14000, s19;
	[sflag:s26] =	ssyncadd.s32 $0xFFFFFE00  }
0xdc: {  	s21 =	smin.u32 s30, $0x96;
	s1 =	sshrl.u32 s1, $0x2;
	_ =	swait.ge [sflag:s26], $0x200  }
0xdd: {  	s21 =	sshll.u32 s21, $0x7;
	s19 =	sshrl.u32 s19, $0x2;
	[sflag:s26] =	ssyncset.done $0x0  }
0xde: {  	s24 =	sadd.s32 $0x280, s21;
	s23 =	sadd.s32 $0xA000, s19;
	[sflag:s26] =	ssyncadd.s32 $0xFFFFFE00  }
0xdf: {  	[tilespmem:s23], [sflag:$0x1] =	stream.indirect.gather [hbm4b:s4+s14], $0x20, s24, s14, $0xb8;
	[tilespmem:$0x18F00] =	vst v63  }
0xe0: {  	s23 =	sadd.s32 $0xB000, s19;
	s24 =	sadd.s32 $0x300, s21  }
0xe1: {  	[tilespmem:s23], [sflag:$0x1] =	stream.indirect.gather [hbm4b:s4+s14], $0x20, s24, s14, $0xb8;
	[tilespmem:$0x18F00] =	vst v63  }
0xe2: {  	s23 =	sadd.s32 $0xC000, s19;
	s24 =	sadd.s32 $0x380, s21  }
0xe3: {  	[tilespmem:s23], [sflag:$0x1] =	stream.indirect.gather [hbm4b:s4+s14], $0x20, s24, s14, $0xb8;
	[tilespmem:$0x18F00] =	vst v63  }
0xe4: {  	s23 =	sadd.s32 $0xD000, s19;
	s24 =	sadd.s32 $0x400, s21  }
0xe5: {  	[tilespmem:s23], [sflag:$0x1] =	stream.indirect.gather [hbm4b:s4+s14], $0x20, s24, s14, $0xb8;
	[tilespmem:$0x18F00] =	vst v63  }
0xe6: {  	s19 =	sadd.s32 $0xE000, s19;
	s21 =	sadd.s32 $0x480, s21;
	s23 =	sshra.s32 s0, $0x2  }
0xe7: {  	[tilespmem:s19], [sflag:$0x1] =	stream.indirect.gather [hbm4b:s4+s14], $0x20, s21, s14, $0xb8;
	[tilespmem:$0x18F00] =	vst v63  }
0xe8: {  	s0 =	sadd.s32 $0xA000, s1;
	s19 =	sadd.s32 $0x5280, s23  }
0xe9: {  	[spmem:s2] =	stream.indirect.scatter.add.bf16 [tilespmem:s0], [sflag:$0x2], $0x20, s19, s14, $0xb8;
	[tilespmem:$0x18F00] =	vst v63  }
0xea: {  	s0 =	sadd.s32 $0xB000, s1;
	s19 =	sadd.s32 $0x5300, s23  }
0xeb: {  	[spmem:s2] =	stream.indirect.scatter.add.bf16 [tilespmem:s0], [sflag:$0x2], $0x20, s19, s14, $0xb8;
	[tilespmem:$0x18F00] =	vst v63  }
.Ltmp1:
0xec: {  	s0 =	sadd.s32 $0xC000, s1;
	s19 =	sadd.s32 $0x5380, s23;
	(pc) =	sbr.rel @p0 .LBB2_4-.Ltmp1, $4  }
0xed: {  	[spmem:s2] =	stream.indirect.scatter.add.bf16 [tilespmem:s0], [sflag:$0x2], $0x20, s19, s14, $0xb8;
	[tilespmem:$0x18F00] =	vst v63  }
0xee: {  	s30 =	sadd.s32 $0x5, s30;
	s0 =	sadd.s32 $0xD000, s1;
	s19 =	sadd.s32 $0x5400, s23  }
0xef: {  	[spmem:s2] =	stream.indirect.scatter.add.bf16 [tilespmem:s0], [sflag:$0x2], $0x20, s19, s14, $0xb8;
	[tilespmem:$0x18F00] =	vst v63  }
0xf0: {  	s31 =	sadd.s32 $0x1, s31;
	s0 =	sadd.s32 $0xE000, s1;
	s1 =	sadd.s32 $0x5480, s23  }
0xf1: {  	[spmem:s2] =	stream.indirect.scatter.add.bf16 [tilespmem:s0], [sflag:$0x2], $0x20, s1, s14, $0xb8;
	[tilespmem:$0x18F00] =	vst v63  }
0xf2: {  	_ =	swait.ge [sflag:s26], $0x200  }
0xf3: {  	[sflag:s26] =	ssyncset.done $0x0  }
0xf4: {  	[sflag:s26] =	ssyncadd.s32 $0xFFFFFE00  }
0xf5: {  	_ =	swait.ge [sflag:s25], $0x1000  }
0xf6: {  	[sflag:s25] =	ssyncset.done $0x0  }
0xf7: {  	[sflag:s25] =	ssyncadd.s32 $0xFFFFF000  }
0xf8: {  	_ =	swait.ge [sflag:s26], $0x200  }
0xf9: {  	[sflag:s26] =	ssyncset.done $0x0  }
0xfa: {  	[sflag:s26] =	ssyncadd.s32 $0xFFFFFE00  }
0xfb: {  	_ =	swait.ge [sflag:s25], $0x1000  }
0xfc: {  	[sflag:s25] =	ssyncset.done $0x0  }
0xfd: {  	[sflag:s25] =	ssyncadd.s32 $0xFFFFF000  }
0xfe: {  	_ =	swait.ge [sflag:s26], $0x200  }
0xff: {  	[sflag:s26] =	ssyncset.done $0x0  }
0x100: {  	[sflag:s26] =	ssyncadd.s32 $0xFFFFFE00  }
0x101: {  	_ =	swait.ge [sflag:s25], $0x1000  }
0x102: {  	[sflag:s25] =	ssyncset.done $0x0  }
0x103: {  	[sflag:s25] =	ssyncadd.s32 $0xFFFFF000  }
0x104: {  	_ =	swait.ge [sflag:s26], $0x200  }
0x105: {  	[sflag:s26] =	ssyncset.done $0x0  }
0x106: {  	[sflag:s26] =	ssyncadd.s32 $0xFFFFFE00  }
0x107: {  	_ =	swait.ge [sflag:s25], $0x1000  }
0x108: {  	[sflag:s25] =	ssyncset.done $0x0  }
0x109: {  	[sflag:s25] =	ssyncadd.s32 $0xFFFFF000  }
0x10a: {  	_ =	swait.ge [sflag:s26], $0x200  }
0x10b: {  	[sflag:s26] =	ssyncset.done $0x0  }
0x10c: {  	[sflag:s26] =	ssyncadd.s32 $0xFFFFFE00  }
0x10d: {  	_ =	swait.ge [sflag:s25], $0x1000  }
0x10e: {  	s28 =	sadd.s32 $0x1, s28;
	[sflag:s25] =	ssyncset.done $0x0  }
0x10f: {  	p0 =	sne.s32 s28, s10;
	[sflag:s25] =	ssyncadd.s32 $0xFFFFF000  }
.Ltmp2:
0x110: {  	[bflag:$0x0] =	sbarrier.arrive $0xFFFF;
	(pc) =	sbr.rel @p0 .LBB2_1-.Ltmp2, $4  }
0x111: {  	[hbm:s9], [sflag:s6] =	dma.local [spmem:s11], $0x9E0  }
0x112: {  	_ =	swait.ge [sflag:s12], $0x9E0  }
0x113: {  	[sflag:s12] =	ssyncset.done $0x0  }
0x114: {  	[sflag:s12] =	ssyncadd.s32 $0xFFFFF620  }
0x115: {  	_ =	sfence.sel $0x180000  }
0x116: {  	[bflag:$0x0] =	sbarrier.arrive $0xFFFF  }
0x117: {  	_ =	strace $0x90000047  }
0x118: {  	s0 =	stileid.u32;
	[bflag:$0x2] =	sbarrier.arrive $0xFFFF  }
0x119: {  	p0 =	sne.s32 s0, $0x0;
	s0 =	rddreg [dreg:$0x3]  }
0x11a: {  	s0 =	sadd.s32 @!p0 $0x100000, s0  }
0x11b: {  	[sflag:s0] =	ssyncadd.tile.s32 @!p0 $0x1;
	_ =	shalt  }
.Lfunc_end2:
_tile_overlayer_lowered:
.L_overlay_start_2:
0x11c: {  	(tag) =	ssettag $0x2  }
0x11d: {  	s0 =	rddreg [dreg:$0x0];
	s2 =	stileid.u32  }
0x11e: {  	s1 =	rddreg [dreg:$0x1];
	p0 =	sne.s32 s2, $0x0  }
0x11f: {  	s3 =	rddreg [dreg:$0x2];
	[bflag:$0x3] =	sbarrier.arrive $0xFFFF;
	s2 =	simm.s32 @!p0 $0x1C03  }
0x120: {  	[timem:s3], [sflag:s2] =	dma.local @!p0 [hbm:s0], s1  }
0x121: {  	s0 =	simm.s32 @!p0 $0x3  }
0x122: {  	_ =	swait.ge @!p0 [sflag:s0], s1  }
0x123: {  	s1 =	ssub.s32 @!p0 $0x0, s1;
	[sflag:s0] =	ssyncset.done @!p0 $0x0  }
0x124: {  	[sflag:s0] =	ssyncadd.s32 @!p0 s1  }
0x125: {  	[bflag:$0x3] =	sbarrier.arrive $0xFFFF  }
0x126: {  	_ =	shalt  }

</sc_bundles>
